<compile_context>
chip_gen: v7x
topology: tpu7x:2x2x1
jax: 0.10.2.dev20260603
libtpu: 0.0.44.dev20260713+nightly
codegen_flags: <defaults>
</compile_context>

<pallas_src>
import jax
import jax.numpy as jnp
from jax import lax
from jax.experimental import pallas as pl
from jax.experimental.pallas import tpu as pltpu
from jax.experimental.pallas import tpu_sc as plsc

B = 16384
V = 100000
D = 32
NF = 4
ROUTING_DIM = 128

_info = plsc.get_sparse_core_info()
_NC, _NS = _info.num_cores, _info.num_subcores
_NW = _NC * _NS
_IC = 4096


_H0 = 50048
_H1 = V - _H0


def _sc_gather_body(i0, i1, i2, i3, t0, t1, t2, t3, out_hbm,
                    buf_a, buf_b, idx_sh, idx_v, out_v, sem_a, sem_b, sem_o):
    sid = lax.axis_index("s")
    wid = sid * _NC + lax.axis_index("c")
    idx_refs = (i0, i1, i2, i3)
    tab_refs = (t0, t1, t2, t3)

    for f in range(NF):
        @pl.when(sid == f)
        def _():
            pltpu.sync_copy(idx_refs[f], idx_sh.at[f])

    cp_a = pltpu.async_copy(tab_refs[0].at[wid, pl.ds(0, _H0)], buf_a, sem_a)
    plsc.subcore_barrier()

    def sweep(f, is_merge, buf):
        def idx_chunk(c, _):
            pltpu.sync_copy(idx_sh.at[f, pl.ds(c * _IC, _IC)], idx_v)

            @plsc.parallel_loop(0, _IC // 16, unroll=8)
            def gather16(j):
                pos = c * _IC + j * 16
                iv = idx_v[pl.ds(j * 16, 16)]
                if is_merge:
                    m = iv >= _H0
                    vals = plsc.load_gather(buf, [iv - _H0], mask=m)
                    prev = out_v[pl.ds(pos, 16)]
                    out_v[pl.ds(pos, 16)] = jnp.where(m, vals, prev)
                else:
                    m = iv < _H0
                    vals = plsc.load_gather(buf, [iv], mask=m)
                    out_v[pl.ds(pos, 16)] = jnp.where(m, vals, 0.0)

            return ()

        lax.fori_loop(0, B // _IC, idx_chunk, ())

    cp_o = None
    for f in range(NF):
        cp_b = pltpu.async_copy(tab_refs[f].at[wid, pl.ds(_H0, _H1)],
                                buf_b, sem_b)
        cp_a.wait()
        if cp_o is not None:
            cp_o.wait()
        sweep(f, False, buf_a)
        cp_b.wait()
        if f < NF - 1:
            cp_a = pltpu.async_copy(tab_refs[f + 1].at[wid, pl.ds(0, _H0)],
                                    buf_a, sem_a)
        sweep(f, True, buf_b)
        cp_o = pltpu.async_copy(out_v, out_hbm.at[f * _NW + wid], sem_o)
    cp_o.wait()


@jax.jit
def _sc_gather(i0, i1, i2, i3, t0, t1, t2, t3):
    mesh = plsc.VectorSubcoreMesh(core_axis_name="c", subcore_axis_name="s")
    return pl.kernel(
        _sc_gather_body,
        mesh=mesh,
        compiler_params=pltpu.CompilerParams(needs_layout_passes=False),
        out_type=jax.ShapeDtypeStruct((NF * D, B), jnp.float32),
        scratch_types=[
            pltpu.VMEM((_H0,), jnp.float32),
            pltpu.VMEM((_H1,), jnp.float32),
            pltpu.VMEM_SHARED((NF, B), jnp.int32),
            pltpu.VMEM((_IC,), jnp.int32),
            pltpu.VMEM((B,), jnp.float32),
            pltpu.SemaphoreType.DMA,
            pltpu.SemaphoreType.DMA,
            pltpu.SemaphoreType.DMA,
        ],
    )(i0, i1, i2, i3, t0, t1, t2, t3)


_BB = 8192


def _proj_body(e_ref, w_ref, b_ref, o_ref):
    o_ref[...] = jax.lax.dot_general(
        e_ref[...], w_ref[...], (((0,), (0,)), ((), ())),
        preferred_element_type=jnp.float32) + b_ref[...]


@jax.jit
def _tc_project(embsT, W, b2d):
    return pl.pallas_call(
        _proj_body,
        grid=(B // _BB,),
        in_specs=[
            pl.BlockSpec((NF * D, _BB), lambda i: (0, i)),
            pl.BlockSpec((NF * D, ROUTING_DIM), lambda i: (0, 0)),
            pl.BlockSpec((1, ROUTING_DIM), lambda i: (0, 0)),
        ],
        out_specs=pl.BlockSpec((_BB, ROUTING_DIM), lambda i: (i, 0)),
        out_shape=jax.ShapeDtypeStruct((B, ROUTING_DIM), jnp.float32),
    )(embsT, W, b2d)


def kernel(user_id, item_id, category_id, context_id,
           table_0, table_1, table_2, table_3, W, b):
    embsT = _sc_gather(user_id, item_id, category_id, context_id,
                       table_0.T, table_1.T, table_2.T, table_3.T)
    return _tc_project(embsT, W, b.reshape(1, ROUTING_DIM))

# --- scband reference (transcript-rebuilt; emitter-appended) ---
"""Pipeline reference for scband-routing-embedder-90683939487746 (READ-ONLY COPY).

The authoritative reference and input builder live on the scoring server;
editing this copy changes nothing except your own understanding.
"""

import jax, jax.numpy as jnp
import numpy as np

B = 16384
V = 100000
D = 32
NF = 4
ROUTING_DIM = 128


def setup_inputs(seed: int = 0) -> dict:
    key = jax.random.key(seed)
    ks = jax.random.split(key, 2 * NF + 2)
    inp = {}
    # index tensors for each routing field
    names = ["user_id", "item_id", "category_id", "context_id"]
    for i, name in enumerate(names):
        inp[name] = jax.random.randint(ks[i], (B,), 0, V, dtype=jnp.int32)
    # embedding tables (one per field), matching nn.Embedding(V, D)
    for i in range(NF):
        inp[f"table_{i}"] = jax.random.normal(ks[NF + i], (V, D), dtype=jnp.float32) * 0.01
    # projector Linear(NF*D, ROUTING_DIM)
    inp["W"] = jax.random.normal(ks[2 * NF], (NF * D, ROUTING_DIM), dtype=jnp.float32) * 0.02
    inp["b"] = jnp.zeros((ROUTING_DIM,), dtype=jnp.float32)
    return inp


def reference(user_id, item_id, category_id, context_id, table_0, table_1, table_2, table_3, W, b):
    # Each field: nn.Embedding lookup -> gather rows from its table
    e0 = jnp.take(table_0, user_id, axis=0)
    e1 = jnp.take(table_1, item_id, axis=0)
    e2 = jnp.take(table_2, category_id, axis=0)
    e3 = jnp.take(table_3, context_id, axis=0)
    # concatenate along feature dim, then project: Linear(NF*D, ROUTING_DIM)
    concatenated = jnp.concatenate([e0, e1, e2, e3], axis=1)
    return concatenated @ W + b

if __name__ == "__main__":
    import jax
    _d = setup_inputs()
    print(jax.jit(kernel)(*tuple(_d.values())))

</pallas_src>

<mosaic_0001>
#map = affine_map<(d0, d1) -> (0)>
#map1 = affine_map<(d0, d1) -> (0, 0)>
module attributes {stable_mosaic.version = 14 : i64} {
  func.func @_sc_gather_body(%arg0: i32, %arg1: i32, %arg2: memref<16384xi32, #tpu.memory_space<hbm>>, %arg3: memref<16384xi32, #tpu.memory_space<hbm>>, %arg4: memref<16384xi32, #tpu.memory_space<hbm>>, %arg5: memref<16384xi32, #tpu.memory_space<hbm>>, %arg6: memref<32x100000xf32, #tpu.memory_space<hbm>>, %arg7: memref<32x100000xf32, #tpu.memory_space<hbm>>, %arg8: memref<32x100000xf32, #tpu.memory_space<hbm>>, %arg9: memref<32x100000xf32, #tpu.memory_space<hbm>>, %arg10: memref<128x16384xf32, #tpu.memory_space<hbm>>, %arg11: memref<50048xf32, #tpu.memory_space<vmem>>, %arg12: memref<49952xf32, #tpu.memory_space<vmem>>, %arg13: memref<4x16384xi32, #tpu.memory_space<vmem_shared>>, %arg14: memref<4096xi32, #tpu.memory_space<vmem>>, %arg15: memref<16384xf32, #tpu.memory_space<vmem>>, %arg16: memref<!tpu.dma_semaphore, #tpu.memory_space<semaphore_mem>>, %arg17: memref<!tpu.dma_semaphore, #tpu.memory_space<semaphore_mem>>, %arg18: memref<!tpu.dma_semaphore, #tpu.memory_space<semaphore_mem>>) attributes {dimension_semantics = [#tpu.dimension_semantics<core_parallel>, #tpu.dimension_semantics<subcore_parallel>], iteration_bounds = array<i64: 2, 16>, scalar_prefetch = 0 : i64, scratch_operands = 8 : i64, tpu.core_type = #tpu.core_type<sc_vector_subcore>, window_params = [{transform_indices = #map}, {transform_indices = #map}, {transform_indices = #map}, {transform_indices = #map}, {transform_indices = #map1}, {transform_indices = #map1}, {transform_indices = #map1}, {transform_indices = #map1}, {transform_indices = #map1}]} {
    %mul3A = arith.constant 2 : i32
    %mul3A_0 = arith.muli %arg1, %mul3A : i32
    %add3A = arith.addi %mul3A_0, %arg0 : i32
    %eq3A = arith.constant 0 : i32
    %eq3A_1 = arith.cmpi eq, %arg1, %eq3A : i32
    %convert_element_type3A = arith.extui %eq3A_1 : i1 to i32
    %cond3A = arith.constant 0 : i32
    %cond3A_2 = arith.cmpi ne, %convert_element_type3A, %cond3A : i32
    scf.if %cond3A_2 {
      %run_scoped3A = arith.constant 0 : i32
      "tpu.region"() ({
        %run_scoped3A_207 = tpu.sem_alloc : memref<!tpu.dma_semaphore, #tpu.memory_space<semaphore_mem>>
        %dma_start3A_208 = arith.constant 0 : i32
        %dma_start3A_209 = tpu.memref_slice %arg13[%run_scoped3A, %dma_start3A_208] : memref<4x16384xi32, #tpu.memory_space<vmem_shared>> -> memref<1x16384xi32, #tpu.memory_space<vmem_shared>>
        %dma_start3A_210 = tpu.memref_squeeze %dma_start3A_209 : memref<1x16384xi32, #tpu.memory_space<vmem_shared>> -> memref<16384xi32, #tpu.memory_space<vmem_shared>>
        tpu.enqueue_dma source(%arg2 : memref<16384xi32, #tpu.memory_space<hbm>>) target(%dma_start3A_210 : memref<16384xi32, #tpu.memory_space<vmem_shared>>) target_semaphore(%run_scoped3A_207 : memref<!tpu.dma_semaphore, #tpu.memory_space<semaphore_mem>>)
        %dma_wait3A_211 = arith.constant 0 : i32
        %dma_wait3A_212 = tpu.memref_slice %arg13[%run_scoped3A, %dma_wait3A_211] : memref<4x16384xi32, #tpu.memory_space<vmem_shared>> -> memref<1x16384xi32, #tpu.memory_space<vmem_shared>>
        %dma_wait3A_213 = tpu.memref_squeeze %dma_wait3A_212 : memref<1x16384xi32, #tpu.memory_space<vmem_shared>> -> memref<16384xi32, #tpu.memory_space<vmem_shared>>
        tpu.wait_dma2 semaphore(%run_scoped3A_207 : memref<!tpu.dma_semaphore, #tpu.memory_space<semaphore_mem>>) src(%arg2 : memref<16384xi32, #tpu.memory_space<hbm>>) dst(%dma_wait3A_213 : memref<16384xi32, #tpu.memory_space<vmem_shared>>)
        tpu.yield
      }) : () -> ()
    } else {
    }
    %eq3A_3 = arith.constant 1 : i32
    %eq3A_4 = arith.cmpi eq, %arg1, %eq3A_3 : i32
    %convert_element_type3A_5 = arith.extui %eq3A_4 : i1 to i32
    %cond3A_6 = arith.constant 0 : i32
    %cond3A_7 = arith.cmpi ne, %convert_element_type3A_5, %cond3A_6 : i32
    scf.if %cond3A_7 {
      %run_scoped3A = arith.constant 1 : i32
      "tpu.region"() ({
        %run_scoped3A_207 = tpu.sem_alloc : memref<!tpu.dma_semaphore, #tpu.memory_space<semaphore_mem>>
        %dma_start3A_208 = arith.constant 0 : i32
        %dma_start3A_209 = tpu.memref_slice %arg13[%run_scoped3A, %dma_start3A_208] : memref<4x16384xi32, #tpu.memory_space<vmem_shared>> -> memref<1x16384xi32, #tpu.memory_space<vmem_shared>>
        %dma_start3A_210 = tpu.memref_squeeze %dma_start3A_209 : memref<1x16384xi32, #tpu.memory_space<vmem_shared>> -> memref<16384xi32, #tpu.memory_space<vmem_shared>>
        tpu.enqueue_dma source(%arg3 : memref<16384xi32, #tpu.memory_space<hbm>>) target(%dma_start3A_210 : memref<16384xi32, #tpu.memory_space<vmem_shared>>) target_semaphore(%run_scoped3A_207 : memref<!tpu.dma_semaphore, #tpu.memory_space<semaphore_mem>>)
        %dma_wait3A_211 = arith.constant 0 : i32
        %dma_wait3A_212 = tpu.memref_slice %arg13[%run_scoped3A, %dma_wait3A_211] : memref<4x16384xi32, #tpu.memory_space<vmem_shared>> -> memref<1x16384xi32, #tpu.memory_space<vmem_shared>>
        %dma_wait3A_213 = tpu.memref_squeeze %dma_wait3A_212 : memref<1x16384xi32, #tpu.memory_space<vmem_shared>> -> memref<16384xi32, #tpu.memory_space<vmem_shared>>
        tpu.wait_dma2 semaphore(%run_scoped3A_207 : memref<!tpu.dma_semaphore, #tpu.memory_space<semaphore_mem>>) src(%arg3 : memref<16384xi32, #tpu.memory_space<hbm>>) dst(%dma_wait3A_213 : memref<16384xi32, #tpu.memory_space<vmem_shared>>)
        tpu.yield
      }) : () -> ()
    } else {
    }
    %eq3A_8 = arith.constant 2 : i32
    %eq3A_9 = arith.cmpi eq, %arg1, %eq3A_8 : i32
    %convert_element_type3A_10 = arith.extui %eq3A_9 : i1 to i32
    %cond3A_11 = arith.constant 0 : i32
    %cond3A_12 = arith.cmpi ne, %convert_element_type3A_10, %cond3A_11 : i32
    scf.if %cond3A_12 {
      %run_scoped3A = arith.constant 2 : i32
      "tpu.region"() ({
        %run_scoped3A_207 = tpu.sem_alloc : memref<!tpu.dma_semaphore, #tpu.memory_space<semaphore_mem>>
        %dma_start3A_208 = arith.constant 0 : i32
        %dma_start3A_209 = tpu.memref_slice %arg13[%run_scoped3A, %dma_start3A_208] : memref<4x16384xi32, #tpu.memory_space<vmem_shared>> -> memref<1x16384xi32, #tpu.memory_space<vmem_shared>>
        %dma_start3A_210 = tpu.memref_squeeze %dma_start3A_209 : memref<1x16384xi32, #tpu.memory_space<vmem_shared>> -> memref<16384xi32, #tpu.memory_space<vmem_shared>>
        tpu.enqueue_dma source(%arg4 : memref<16384xi32, #tpu.memory_space<hbm>>) target(%dma_start3A_210 : memref<16384xi32, #tpu.memory_space<vmem_shared>>) target_semaphore(%run_scoped3A_207 : memref<!tpu.dma_semaphore, #tpu.memory_space<semaphore_mem>>)
        %dma_wait3A_211 = arith.constant 0 : i32
        %dma_wait3A_212 = tpu.memref_slice %arg13[%run_scoped3A, %dma_wait3A_211] : memref<4x16384xi32, #tpu.memory_space<vmem_shared>> -> memref<1x16384xi32, #tpu.memory_space<vmem_shared>>
        %dma_wait3A_213 = tpu.memref_squeeze %dma_wait3A_212 : memref<1x16384xi32, #tpu.memory_space<vmem_shared>> -> memref<16384xi32, #tpu.memory_space<vmem_shared>>
        tpu.wait_dma2 semaphore(%run_scoped3A_207 : memref<!tpu.dma_semaphore, #tpu.memory_space<semaphore_mem>>) src(%arg4 : memref<16384xi32, #tpu.memory_space<hbm>>) dst(%dma_wait3A_213 : memref<16384xi32, #tpu.memory_space<vmem_shared>>)
        tpu.yield
      }) : () -> ()
    } else {
    }
    %eq3A_13 = arith.constant 3 : i32
    %eq3A_14 = arith.cmpi eq, %arg1, %eq3A_13 : i32
    %convert_element_type3A_15 = arith.extui %eq3A_14 : i1 to i32
    %cond3A_16 = arith.constant 0 : i32
    %cond3A_17 = arith.cmpi ne, %convert_element_type3A_15, %cond3A_16 : i32
    scf.if %cond3A_17 {
      %run_scoped3A = arith.constant 3 : i32
      "tpu.region"() ({
        %run_scoped3A_207 = tpu.sem_alloc : memref<!tpu.dma_semaphore, #tpu.memory_space<semaphore_mem>>
        %dma_start3A_208 = arith.constant 0 : i32
        %dma_start3A_209 = tpu.memref_slice %arg13[%run_scoped3A, %dma_start3A_208] : memref<4x16384xi32, #tpu.memory_space<vmem_shared>> -> memref<1x16384xi32, #tpu.memory_space<vmem_shared>>
        %dma_start3A_210 = tpu.memref_squeeze %dma_start3A_209 : memref<1x16384xi32, #tpu.memory_space<vmem_shared>> -> memref<16384xi32, #tpu.memory_space<vmem_shared>>
        tpu.enqueue_dma source(%arg5 : memref<16384xi32, #tpu.memory_space<hbm>>) target(%dma_start3A_210 : memref<16384xi32, #tpu.memory_space<vmem_shared>>) target_semaphore(%run_scoped3A_207 : memref<!tpu.dma_semaphore, #tpu.memory_space<semaphore_mem>>)
        %dma_wait3A_211 = arith.constant 0 : i32
        %dma_wait3A_212 = tpu.memref_slice %arg13[%run_scoped3A, %dma_wait3A_211] : memref<4x16384xi32, #tpu.memory_space<vmem_shared>> -> memref<1x16384xi32, #tpu.memory_space<vmem_shared>>
        %dma_wait3A_213 = tpu.memref_squeeze %dma_wait3A_212 : memref<1x16384xi32, #tpu.memory_space<vmem_shared>> -> memref<16384xi32, #tpu.memory_space<vmem_shared>>
        tpu.wait_dma2 semaphore(%run_scoped3A_207 : memref<!tpu.dma_semaphore, #tpu.memory_space<semaphore_mem>>) src(%arg5 : memref<16384xi32, #tpu.memory_space<hbm>>) dst(%dma_wait3A_213 : memref<16384xi32, #tpu.memory_space<vmem_shared>>)
        tpu.yield
      }) : () -> ()
    } else {
    }
    %dma_start3A = arith.constant 0 : i32
    %dma_start3A_18 = tpu.memref_slice %arg6[%add3A, %dma_start3A] : memref<32x100000xf32, #tpu.memory_space<hbm>> -> memref<1x50048xf32, #tpu.memory_space<hbm>>
    %dma_start3A_19 = tpu.memref_squeeze %dma_start3A_18 : memref<1x50048xf32, #tpu.memory_space<hbm>> -> memref<50048xf32, #tpu.memory_space<hbm>>
    %dma_start3A_20 = arith.constant 0 : i32
    %dma_start3A_21 = tpu.memref_slice %arg6[%add3A, %dma_start3A_20] : memref<32x100000xf32, #tpu.memory_space<hbm>> -> memref<1x50048xf32, #tpu.memory_space<hbm>>
    %dma_start3A_22 = tpu.memref_squeeze %dma_start3A_21 : memref<1x50048xf32, #tpu.memory_space<hbm>> -> memref<50048xf32, #tpu.memory_space<hbm>>
    tpu.enqueue_dma source(%dma_start3A_22 : memref<50048xf32, #tpu.memory_space<hbm>>) target(%arg11 : memref<50048xf32, #tpu.memory_space<vmem>>) target_semaphore(%arg16 : memref<!tpu.dma_semaphore, #tpu.memory_space<semaphore_mem>>)
    %barrier3A = arith.constant 0 : index
    tpu.barrier barrier_id(%barrier3A)
    %dma_start3A_23 = arith.constant 50048 : i32
    %dma_start3A_24 = tpu.memref_slice %arg6[%add3A, %dma_start3A_23] : memref<32x100000xf32, #tpu.memory_space<hbm>> -> memref<1x49952xf32, #tpu.memory_space<hbm>>
    %dma_start3A_25 = tpu.memref_squeeze %dma_start3A_24 : memref<1x49952xf32, #tpu.memory_space<hbm>> -> memref<49952xf32, #tpu.memory_space<hbm>>
    %dma_start3A_26 = arith.constant 50048 : i32
    %dma_start3A_27 = tpu.memref_slice %arg6[%add3A, %dma_start3A_26] : memref<32x100000xf32, #tpu.memory_space<hbm>> -> memref<1x49952xf32, #tpu.memory_space<hbm>>
    %dma_start3A_28 = tpu.memref_squeeze %dma_start3A_27 : memref<1x49952xf32, #tpu.memory_space<hbm>> -> memref<49952xf32, #tpu.memory_space<hbm>>
    tpu.enqueue_dma source(%dma_start3A_28 : memref<49952xf32, #tpu.memory_space<hbm>>) target(%arg12 : memref<49952xf32, #tpu.memory_space<vmem>>) target_semaphore(%arg17 : memref<!tpu.dma_semaphore, #tpu.memory_space<semaphore_mem>>)
    %dma_wait3A = arith.constant 0 : i32
    %dma_wait3A_29 = tpu.memref_slice %arg6[%add3A, %dma_wait3A] : memref<32x100000xf32, #tpu.memory_space<hbm>> -> memref<1x50048xf32, #tpu.memory_space<hbm>>
    %dma_wait3A_30 = tpu.memref_squeeze %dma_wait3A_29 : memref<1x50048xf32, #tpu.memory_space<hbm>> -> memref<50048xf32, #tpu.memory_space<hbm>>
    %dma_wait3A_31 = arith.constant 0 : i32
    %dma_wait3A_32 = tpu.memref_slice %arg6[%add3A, %dma_wait3A_31] : memref<32x100000xf32, #tpu.memory_space<hbm>> -> memref<1x50048xf32, #tpu.memory_space<hbm>>
    %dma_wait3A_33 = tpu.memref_squeeze %dma_wait3A_32 : memref<1x50048xf32, #tpu.memory_space<hbm>> -> memref<50048xf32, #tpu.memory_space<hbm>>
    tpu.wait_dma2 semaphore(%arg16 : memref<!tpu.dma_semaphore, #tpu.memory_space<semaphore_mem>>) src(%dma_wait3A_33 : memref<50048xf32, #tpu.memory_space<hbm>>) dst(%arg11 : memref<50048xf32, #tpu.memory_space<vmem>>)
    %scan3A = arith.constant 0 : i32
    %scan3A_34 = arith.constant 4 : i32
    %scan3A_35 = arith.addi %scan3A, %scan3A_34 : i32
    %scan3A_36 = arith.constant 1 : i32
    scf.for %scan3A_207 = %scan3A to %scan3A_35 step %scan3A_36  : i32 {
      %mul3A_208 = arith.constant 4096 : i32
      %mul3A_209 = arith.muli %scan3A_207, %mul3A_208 : i32
      %run_scoped3A = arith.constant 0 : i32
      "tpu.region"() ({
        %run_scoped3A_212 = tpu.sem_alloc : memref<!tpu.dma_semaphore, #tpu.memory_space<semaphore_mem>>
        %dma_start3A_213 = tpu.memref_slice %arg13[%run_scoped3A, %mul3A_209] : memref<4x16384xi32, #tpu.memory_space<vmem_shared>> -> memref<1x4096xi32, #tpu.memory_space<vmem_shared>>
        %dma_start3A_214 = tpu.memref_squeeze %dma_start3A_213 : memref<1x4096xi32, #tpu.memory_space<vmem_shared>> -> memref<4096xi32, #tpu.memory_space<vmem_shared>>
        %dma_start3A_215 = tpu.memref_slice %arg13[%run_scoped3A, %mul3A_209] : memref<4x16384xi32, #tpu.memory_space<vmem_shared>> -> memref<1x4096xi32, #tpu.memory_space<vmem_shared>>
        %dma_start3A_216 = tpu.memref_squeeze %dma_start3A_215 : memref<1x4096xi32, #tpu.memory_space<vmem_shared>> -> memref<4096xi32, #tpu.memory_space<vmem_shared>>
        tpu.enqueue_dma source(%dma_start3A_216 : memref<4096xi32, #tpu.memory_space<vmem_shared>>) target(%arg14 : memref<4096xi32, #tpu.memory_space<vmem>>) target_semaphore(%run_scoped3A_212 : memref<!tpu.dma_semaphore, #tpu.memory_space<semaphore_mem>>)
        %dma_wait3A_217 = tpu.memref_slice %arg13[%run_scoped3A, %mul3A_209] : memref<4x16384xi32, #tpu.memory_space<vmem_shared>> -> memref<1x4096xi32, #tpu.memory_space<vmem_shared>>
        %dma_wait3A_218 = tpu.memref_squeeze %dma_wait3A_217 : memref<1x4096xi32, #tpu.memory_space<vmem_shared>> -> memref<4096xi32, #tpu.memory_space<vmem_shared>>
        %dma_wait3A_219 = tpu.memref_slice %arg13[%run_scoped3A, %mul3A_209] : memref<4x16384xi32, #tpu.memory_space<vmem_shared>> -> memref<1x4096xi32, #tpu.memory_space<vmem_shared>>
        %dma_wait3A_220 = tpu.memref_squeeze %dma_wait3A_219 : memref<1x4096xi32, #tpu.memory_space<vmem_shared>> -> memref<4096xi32, #tpu.memory_space<vmem_shared>>
        tpu.wait_dma2 semaphore(%run_scoped3A_212 : memref<!tpu.dma_semaphore, #tpu.memory_space<semaphore_mem>>) src(%dma_wait3A_220 : memref<4096xi32, #tpu.memory_space<vmem_shared>>) dst(%arg14 : memref<4096xi32, #tpu.memory_space<vmem>>)
        tpu.yield
      }) : () -> ()
      %parallel_loop3A = arith.constant 0 : i32
      %parallel_loop3A_210 = arith.constant 256 : i32
      %parallel_loop3A_211 = arith.constant 1 : i32
      scf.for %parallel_loop3A_212 = %parallel_loop3A to %parallel_loop3A_210 step %parallel_loop3A_211  : i32 {
        %parallel_loop3A_213 = arith.constant 4096 : i32
        %parallel_loop3A_214 = arith.muli %scan3A_207, %parallel_loop3A_213 : i32
        %parallel_loop3A_215 = arith.constant 16 : i32
        %parallel_loop3A_216 = arith.muli %parallel_loop3A_212, %parallel_loop3A_215 : i32
        %parallel_loop3A_217 = arith.addi %parallel_loop3A_214, %parallel_loop3A_216 : i32
        %parallel_loop3A_218 = arith.constant 16 : i32
        %parallel_loop3A_219 = arith.muli %parallel_loop3A_212, %parallel_loop3A_218 : i32
        %parallel_loop3A_220 = arith.index_cast %parallel_loop3A_219 : i32 to index
        %parallel_loop3A_221 = tpu.vector_load %arg14[%parallel_loop3A_220] {strides = array<i32>} : memref<4096xi32, #tpu.memory_space<vmem>>, vector<16xi32>,
        %parallel_loop3A_222 = arith.constant 50048 : i32
        %parallel_loop3A_223 = vector.broadcast %parallel_loop3A_222 : i32 to vector<16xi32>
        %parallel_loop3A_224 = arith.cmpi slt, %parallel_loop3A_221, %parallel_loop3A_223 : vector<16xi32>
        %parallel_loop3A_225 = tpu.vector_load_idx %arg11[%parallel_loop3A_221] masked %parallel_loop3A_224 : memref<50048xf32, #tpu.memory_space<vmem>>[vector<16xi32>], vector<16xf32>, vector<16xi1>
        %parallel_loop3A_226 = arith.constant 0.000000e+00 : f32
        %parallel_loop3A_227 = vector.broadcast %parallel_loop3A_226 : f32 to vector<16xf32>
        %parallel_loop3A_228 = arith.select %parallel_loop3A_224, %parallel_loop3A_225, %parallel_loop3A_227 : vector<16xi1>, vector<16xf32>
        %parallel_loop3A_229 = arith.index_cast %parallel_loop3A_217 : i32 to index
        %parallel_loop3A_230 = tpu.vector_load %arg15[%parallel_loop3A_229] {strides = array<i32>} : memref<16384xf32, #tpu.memory_space<vmem>>, vector<16xf32>,
        tpu.vector_store %arg15[%parallel_loop3A_229], %parallel_loop3A_228 {strides = array<i32>} : memref<16384xf32, #tpu.memory_space<vmem>>, vector<16xf32>,
      } {sc.loop_unroll_factor = 8 : i64, sc.parallel_access}
    }
    %scan3A_37 = arith.constant 4 : i32
    %dma_wait3A_38 = arith.constant 50048 : i32
    %dma_wait3A_39 = tpu.memref_slice %arg6[%add3A, %dma_wait3A_38] : memref<32x100000xf32, #tpu.memory_space<hbm>> -> memref<1x49952xf32, #tpu.memory_space<hbm>>
    %dma_wait3A_40 = tpu.memref_squeeze %dma_wait3A_39 : memref<1x49952xf32, #tpu.memory_space<hbm>> -> memref<49952xf32, #tpu.memory_space<hbm>>
    %dma_wait3A_41 = arith.constant 50048 : i32
    %dma_wait3A_42 = tpu.memref_slice %arg6[%add3A, %dma_wait3A_41] : memref<32x100000xf32, #tpu.memory_space<hbm>> -> memref<1x49952xf32, #tpu.memory_space<hbm>>
    %dma_wait3A_43 = tpu.memref_squeeze %dma_wait3A_42 : memref<1x49952xf32, #tpu.memory_space<hbm>> -> memref<49952xf32, #tpu.memory_space<hbm>>
    tpu.wait_dma2 semaphore(%arg17 : memref<!tpu.dma_semaphore, #tpu.memory_space<semaphore_mem>>) src(%dma_wait3A_43 : memref<49952xf32, #tpu.memory_space<hbm>>) dst(%arg12 : memref<49952xf32, #tpu.memory_space<vmem>>)
    %dma_start3A_44 = arith.constant 0 : i32
    %dma_start3A_45 = tpu.memref_slice %arg7[%add3A, %dma_start3A_44] : memref<32x100000xf32, #tpu.memory_space<hbm>> -> memref<1x50048xf32, #tpu.memory_space<hbm>>
    %dma_start3A_46 = tpu.memref_squeeze %dma_start3A_45 : memref<1x50048xf32, #tpu.memory_space<hbm>> -> memref<50048xf32, #tpu.memory_space<hbm>>
    %dma_start3A_47 = arith.constant 0 : i32
    %dma_start3A_48 = tpu.memref_slice %arg7[%add3A, %dma_start3A_47] : memref<32x100000xf32, #tpu.memory_space<hbm>> -> memref<1x50048xf32, #tpu.memory_space<hbm>>
    %dma_start3A_49 = tpu.memref_squeeze %dma_start3A_48 : memref<1x50048xf32, #tpu.memory_space<hbm>> -> memref<50048xf32, #tpu.memory_space<hbm>>
    tpu.enqueue_dma source(%dma_start3A_49 : memref<50048xf32, #tpu.memory_space<hbm>>) target(%arg11 : memref<50048xf32, #tpu.memory_space<vmem>>) target_semaphore(%arg16 : memref<!tpu.dma_semaphore, #tpu.memory_space<semaphore_mem>>)
    %scan3A_50 = arith.constant 0 : i32
    %scan3A_51 = arith.constant 4 : i32
    %scan3A_52 = arith.addi %scan3A_50, %scan3A_51 : i32
    %scan3A_53 = arith.constant 1 : i32
    scf.for %scan3A_207 = %scan3A_50 to %scan3A_52 step %scan3A_53  : i32 {
      %mul3A_208 = arith.constant 4096 : i32
      %mul3A_209 = arith.muli %scan3A_207, %mul3A_208 : i32
      %run_scoped3A = arith.constant 0 : i32
      "tpu.region"() ({
        %run_scoped3A_212 = tpu.sem_alloc : memref<!tpu.dma_semaphore, #tpu.memory_space<semaphore_mem>>
        %dma_start3A_213 = tpu.memref_slice %arg13[%run_scoped3A, %mul3A_209] : memref<4x16384xi32, #tpu.memory_space<vmem_shared>> -> memref<1x4096xi32, #tpu.memory_space<vmem_shared>>
        %dma_start3A_214 = tpu.memref_squeeze %dma_start3A_213 : memref<1x4096xi32, #tpu.memory_space<vmem_shared>> -> memref<4096xi32, #tpu.memory_space<vmem_shared>>
        %dma_start3A_215 = tpu.memref_slice %arg13[%run_scoped3A, %mul3A_209] : memref<4x16384xi32, #tpu.memory_space<vmem_shared>> -> memref<1x4096xi32, #tpu.memory_space<vmem_shared>>
        %dma_start3A_216 = tpu.memref_squeeze %dma_start3A_215 : memref<1x4096xi32, #tpu.memory_space<vmem_shared>> -> memref<4096xi32, #tpu.memory_space<vmem_shared>>
        tpu.enqueue_dma source(%dma_start3A_216 : memref<4096xi32, #tpu.memory_space<vmem_shared>>) target(%arg14 : memref<4096xi32, #tpu.memory_space<vmem>>) target_semaphore(%run_scoped3A_212 : memref<!tpu.dma_semaphore, #tpu.memory_space<semaphore_mem>>)
        %dma_wait3A_217 = tpu.memref_slice %arg13[%run_scoped3A, %mul3A_209] : memref<4x16384xi32, #tpu.memory_space<vmem_shared>> -> memref<1x4096xi32, #tpu.memory_space<vmem_shared>>
        %dma_wait3A_218 = tpu.memref_squeeze %dma_wait3A_217 : memref<1x4096xi32, #tpu.memory_space<vmem_shared>> -> memref<4096xi32, #tpu.memory_space<vmem_shared>>
        %dma_wait3A_219 = tpu.memref_slice %arg13[%run_scoped3A, %mul3A_209] : memref<4x16384xi32, #tpu.memory_space<vmem_shared>> -> memref<1x4096xi32, #tpu.memory_space<vmem_shared>>
        %dma_wait3A_220 = tpu.memref_squeeze %dma_wait3A_219 : memref<1x4096xi32, #tpu.memory_space<vmem_shared>> -> memref<4096xi32, #tpu.memory_space<vmem_shared>>
        tpu.wait_dma2 semaphore(%run_scoped3A_212 : memref<!tpu.dma_semaphore, #tpu.memory_space<semaphore_mem>>) src(%dma_wait3A_220 : memref<4096xi32, #tpu.memory_space<vmem_shared>>) dst(%arg14 : memref<4096xi32, #tpu.memory_space<vmem>>)
        tpu.yield
      }) : () -> ()
      %parallel_loop3A = arith.constant 0 : i32
      %parallel_loop3A_210 = arith.constant 256 : i32
      %parallel_loop3A_211 = arith.constant 1 : i32
      scf.for %parallel_loop3A_212 = %parallel_loop3A to %parallel_loop3A_210 step %parallel_loop3A_211  : i32 {
        %parallel_loop3A_213 = arith.constant 4096 : i32
        %parallel_loop3A_214 = arith.muli %scan3A_207, %parallel_loop3A_213 : i32
        %parallel_loop3A_215 = arith.constant 16 : i32
        %parallel_loop3A_216 = arith.muli %parallel_loop3A_212, %parallel_loop3A_215 : i32
        %parallel_loop3A_217 = arith.addi %parallel_loop3A_214, %parallel_loop3A_216 : i32
        %parallel_loop3A_218 = arith.constant 16 : i32
        %parallel_loop3A_219 = arith.muli %parallel_loop3A_212, %parallel_loop3A_218 : i32
        %parallel_loop3A_220 = arith.index_cast %parallel_loop3A_219 : i32 to index
        %parallel_loop3A_221 = tpu.vector_load %arg14[%parallel_loop3A_220] {strides = array<i32>} : memref<4096xi32, #tpu.memory_space<vmem>>, vector<16xi32>,
        %parallel_loop3A_222 = arith.constant 50048 : i32
        %parallel_loop3A_223 = vector.broadcast %parallel_loop3A_222 : i32 to vector<16xi32>
        %parallel_loop3A_224 = arith.cmpi sge, %parallel_loop3A_221, %parallel_loop3A_223 : vector<16xi32>
        %parallel_loop3A_225 = arith.constant 50048 : i32
        %parallel_loop3A_226 = vector.broadcast %parallel_loop3A_225 : i32 to vector<16xi32>
        %parallel_loop3A_227 = arith.subi %parallel_loop3A_221, %parallel_loop3A_226 : vector<16xi32>
        %parallel_loop3A_228 = tpu.vector_load_idx %arg12[%parallel_loop3A_227] masked %parallel_loop3A_224 : memref<49952xf32, #tpu.memory_space<vmem>>[vector<16xi32>], vector<16xf32>, vector<16xi1>
        %parallel_loop3A_229 = arith.index_cast %parallel_loop3A_217 : i32 to index
        %parallel_loop3A_230 = tpu.vector_load %arg15[%parallel_loop3A_229] {strides = array<i32>} : memref<16384xf32, #tpu.memory_space<vmem>>, vector<16xf32>,
        %parallel_loop3A_231 = arith.select %parallel_loop3A_224, %parallel_loop3A_228, %parallel_loop3A_230 : vector<16xi1>, vector<16xf32>
        %parallel_loop3A_232 = arith.index_cast %parallel_loop3A_217 : i32 to index
        %parallel_loop3A_233 = tpu.vector_load %arg15[%parallel_loop3A_232] {strides = array<i32>} : memref<16384xf32, #tpu.memory_space<vmem>>, vector<16xf32>,
        tpu.vector_store %arg15[%parallel_loop3A_232], %parallel_loop3A_231 {strides = array<i32>} : memref<16384xf32, #tpu.memory_space<vmem>>, vector<16xf32>,
      } {sc.loop_unroll_factor = 8 : i64, sc.parallel_access}
    }
    %scan3A_54 = arith.constant 4 : i32
    %add3A_55 = arith.constant 0 : i32
    %add3A_56 = arith.addi %add3A_55, %add3A : i32
    %dma_start3A_57 = arith.constant 0 : i32
    %dma_start3A_58 = tpu.memref_slice %arg10[%add3A_56, %dma_start3A_57] : memref<128x16384xf32, #tpu.memory_space<hbm>> -> memref<1x16384xf32, #tpu.memory_space<hbm>>
    %dma_start3A_59 = tpu.memref_squeeze %dma_start3A_58 : memref<1x16384xf32, #tpu.memory_space<hbm>> -> memref<16384xf32, #tpu.memory_space<hbm>>
    %dma_start3A_60 = arith.constant 0 : i32
    %dma_start3A_61 = tpu.memref_slice %arg10[%add3A_56, %dma_start3A_60] : memref<128x16384xf32, #tpu.memory_space<hbm>> -> memref<1x16384xf32, #tpu.memory_space<hbm>>
    %dma_start3A_62 = tpu.memref_squeeze %dma_start3A_61 : memref<1x16384xf32, #tpu.memory_space<hbm>> -> memref<16384xf32, #tpu.memory_space<hbm>>
    tpu.enqueue_dma source(%arg15 : memref<16384xf32, #tpu.memory_space<vmem>>) target(%dma_start3A_62 : memref<16384xf32, #tpu.memory_space<hbm>>) target_semaphore(%arg18 : memref<!tpu.dma_semaphore, #tpu.memory_space<semaphore_mem>>)
    %dma_start3A_63 = arith.constant 50048 : i32
    %dma_start3A_64 = tpu.memref_slice %arg7[%add3A, %dma_start3A_63] : memref<32x100000xf32, #tpu.memory_space<hbm>> -> memref<1x49952xf32, #tpu.memory_space<hbm>>
    %dma_start3A_65 = tpu.memref_squeeze %dma_start3A_64 : memref<1x49952xf32, #tpu.memory_space<hbm>> -> memref<49952xf32, #tpu.memory_space<hbm>>
    %dma_start3A_66 = arith.constant 50048 : i32
    %dma_start3A_67 = tpu.memref_slice %arg7[%add3A, %dma_start3A_66] : memref<32x100000xf32, #tpu.memory_space<hbm>> -> memref<1x49952xf32, #tpu.memory_space<hbm>>
    %dma_start3A_68 = tpu.memref_squeeze %dma_start3A_67 : memref<1x49952xf32, #tpu.memory_space<hbm>> -> memref<49952xf32, #tpu.memory_space<hbm>>
    tpu.enqueue_dma source(%dma_start3A_68 : memref<49952xf32, #tpu.memory_space<hbm>>) target(%arg12 : memref<49952xf32, #tpu.memory_space<vmem>>) target_semaphore(%arg17 : memref<!tpu.dma_semaphore, #tpu.memory_space<semaphore_mem>>)
    %dma_wait3A_69 = arith.constant 0 : i32
    %dma_wait3A_70 = tpu.memref_slice %arg7[%add3A, %dma_wait3A_69] : memref<32x100000xf32, #tpu.memory_space<hbm>> -> memref<1x50048xf32, #tpu.memory_space<hbm>>
    %dma_wait3A_71 = tpu.memref_squeeze %dma_wait3A_70 : memref<1x50048xf32, #tpu.memory_space<hbm>> -> memref<50048xf32, #tpu.memory_space<hbm>>
    %dma_wait3A_72 = arith.constant 0 : i32
    %dma_wait3A_73 = tpu.memref_slice %arg7[%add3A, %dma_wait3A_72] : memref<32x100000xf32, #tpu.memory_space<hbm>> -> memref<1x50048xf32, #tpu.memory_space<hbm>>
    %dma_wait3A_74 = tpu.memref_squeeze %dma_wait3A_73 : memref<1x50048xf32, #tpu.memory_space<hbm>> -> memref<50048xf32, #tpu.memory_space<hbm>>
    tpu.wait_dma2 semaphore(%arg16 : memref<!tpu.dma_semaphore, #tpu.memory_space<semaphore_mem>>) src(%dma_wait3A_74 : memref<50048xf32, #tpu.memory_space<hbm>>) dst(%arg11 : memref<50048xf32, #tpu.memory_space<vmem>>)
    %dma_wait3A_75 = arith.constant 0 : i32
    %dma_wait3A_76 = tpu.memref_slice %arg10[%add3A_56, %dma_wait3A_75] : memref<128x16384xf32, #tpu.memory_space<hbm>> -> memref<1x16384xf32, #tpu.memory_space<hbm>>
    %dma_wait3A_77 = tpu.memref_squeeze %dma_wait3A_76 : memref<1x16384xf32, #tpu.memory_space<hbm>> -> memref<16384xf32, #tpu.memory_space<hbm>>
    %dma_wait3A_78 = arith.constant 0 : i32
    %dma_wait3A_79 = tpu.memref_slice %arg10[%add3A_56, %dma_wait3A_78] : memref<128x16384xf32, #tpu.memory_space<hbm>> -> memref<1x16384xf32, #tpu.memory_space<hbm>>
    %dma_wait3A_80 = tpu.memref_squeeze %dma_wait3A_79 : memref<1x16384xf32, #tpu.memory_space<hbm>> -> memref<16384xf32, #tpu.memory_space<hbm>>
    tpu.wait_dma2 semaphore(%arg18 : memref<!tpu.dma_semaphore, #tpu.memory_space<semaphore_mem>>) src(%arg15 : memref<16384xf32, #tpu.memory_space<vmem>>) dst(%dma_wait3A_80 : memref<16384xf32, #tpu.memory_space<hbm>>)
    %scan3A_81 = arith.constant 0 : i32
    %scan3A_82 = arith.constant 4 : i32
    %scan3A_83 = arith.addi %scan3A_81, %scan3A_82 : i32
    %scan3A_84 = arith.constant 1 : i32
    scf.for %scan3A_207 = %scan3A_81 to %scan3A_83 step %scan3A_84  : i32 {
      %mul3A_208 = arith.constant 4096 : i32
      %mul3A_209 = arith.muli %scan3A_207, %mul3A_208 : i32
      %run_scoped3A = arith.constant 1 : i32
      "tpu.region"() ({
        %run_scoped3A_212 = tpu.sem_alloc : memref<!tpu.dma_semaphore, #tpu.memory_space<semaphore_mem>>
        %dma_start3A_213 = tpu.memref_slice %arg13[%run_scoped3A, %mul3A_209] : memref<4x16384xi32, #tpu.memory_space<vmem_shared>> -> memref<1x4096xi32, #tpu.memory_space<vmem_shared>>
        %dma_start3A_214 = tpu.memref_squeeze %dma_start3A_213 : memref<1x4096xi32, #tpu.memory_space<vmem_shared>> -> memref<4096xi32, #tpu.memory_space<vmem_shared>>
        %dma_start3A_215 = tpu.memref_slice %arg13[%run_scoped3A, %mul3A_209] : memref<4x16384xi32, #tpu.memory_space<vmem_shared>> -> memref<1x4096xi32, #tpu.memory_space<vmem_shared>>
        %dma_start3A_216 = tpu.memref_squeeze %dma_start3A_215 : memref<1x4096xi32, #tpu.memory_space<vmem_shared>> -> memref<4096xi32, #tpu.memory_space<vmem_shared>>
        tpu.enqueue_dma source(%dma_start3A_216 : memref<4096xi32, #tpu.memory_space<vmem_shared>>) target(%arg14 : memref<4096xi32, #tpu.memory_space<vmem>>) target_semaphore(%run_scoped3A_212 : memref<!tpu.dma_semaphore, #tpu.memory_space<semaphore_mem>>)
        %dma_wait3A_217 = tpu.memref_slice %arg13[%run_scoped3A, %mul3A_209] : memref<4x16384xi32, #tpu.memory_space<vmem_shared>> -> memref<1x4096xi32, #tpu.memory_space<vmem_shared>>
        %dma_wait3A_218 = tpu.memref_squeeze %dma_wait3A_217 : memref<1x4096xi32, #tpu.memory_space<vmem_shared>> -> memref<4096xi32, #tpu.memory_space<vmem_shared>>
        %dma_wait3A_219 = tpu.memref_slice %arg13[%run_scoped3A, %mul3A_209] : memref<4x16384xi32, #tpu.memory_space<vmem_shared>> -> memref<1x4096xi32, #tpu.memory_space<vmem_shared>>
        %dma_wait3A_220 = tpu.memref_squeeze %dma_wait3A_219 : memref<1x4096xi32, #tpu.memory_space<vmem_shared>> -> memref<4096xi32, #tpu.memory_space<vmem_shared>>
        tpu.wait_dma2 semaphore(%run_scoped3A_212 : memref<!tpu.dma_semaphore, #tpu.memory_space<semaphore_mem>>) src(%dma_wait3A_220 : memref<4096xi32, #tpu.memory_space<vmem_shared>>) dst(%arg14 : memref<4096xi32, #tpu.memory_space<vmem>>)
        tpu.yield
      }) : () -> ()
      %parallel_loop3A = arith.constant 0 : i32
      %parallel_loop3A_210 = arith.constant 256 : i32
      %parallel_loop3A_211 = arith.constant 1 : i32
      scf.for %parallel_loop3A_212 = %parallel_loop3A to %parallel_loop3A_210 step %parallel_loop3A_211  : i32 {
        %parallel_loop3A_213 = arith.constant 4096 : i32
        %parallel_loop3A_214 = arith.muli %scan3A_207, %parallel_loop3A_213 : i32
        %parallel_loop3A_215 = arith.constant 16 : i32
        %parallel_loop3A_216 = arith.muli %parallel_loop3A_212, %parallel_loop3A_215 : i32
        %parallel_loop3A_217 = arith.addi %parallel_loop3A_214, %parallel_loop3A_216 : i32
        %parallel_loop3A_218 = arith.constant 16 : i32
        %parallel_loop3A_219 = arith.muli %parallel_loop3A_212, %parallel_loop3A_218 : i32
        %parallel_loop3A_220 = arith.index_cast %parallel_loop3A_219 : i32 to index
        %parallel_loop3A_221 = tpu.vector_load %arg14[%parallel_loop3A_220] {strides = array<i32>} : memref<4096xi32, #tpu.memory_space<vmem>>, vector<16xi32>,
        %parallel_loop3A_222 = arith.constant 50048 : i32
        %parallel_loop3A_223 = vector.broadcast %parallel_loop3A_222 : i32 to vector<16xi32>
        %parallel_loop3A_224 = arith.cmpi slt, %parallel_loop3A_221, %parallel_loop3A_223 : vector<16xi32>
        %parallel_loop3A_225 = tpu.vector_load_idx %arg11[%parallel_loop3A_221] masked %parallel_loop3A_224 : memref<50048xf32, #tpu.memory_space<vmem>>[vector<16xi32>], vector<16xf32>, vector<16xi1>
        %parallel_loop3A_226 = arith.constant 0.000000e+00 : f32
        %parallel_loop3A_227 = vector.broadcast %parallel_loop3A_226 : f32 to vector<16xf32>
        %parallel_loop3A_228 = arith.select %parallel_loop3A_224, %parallel_loop3A_225, %parallel_loop3A_227 : vector<16xi1>, vector<16xf32>
        %parallel_loop3A_229 = arith.index_cast %parallel_loop3A_217 : i32 to index
        %parallel_loop3A_230 = tpu.vector_load %arg15[%parallel_loop3A_229] {strides = array<i32>} : memref<16384xf32, #tpu.memory_space<vmem>>, vector<16xf32>,
        tpu.vector_store %arg15[%parallel_loop3A_229], %parallel_loop3A_228 {strides = array<i32>} : memref<16384xf32, #tpu.memory_space<vmem>>, vector<16xf32>,
      } {sc.loop_unroll_factor = 8 : i64, sc.parallel_access}
    }
    %scan3A_85 = arith.constant 4 : i32
    %dma_wait3A_86 = arith.constant 50048 : i32
    %dma_wait3A_87 = tpu.memref_slice %arg7[%add3A, %dma_wait3A_86] : memref<32x100000xf32, #tpu.memory_space<hbm>> -> memref<1x49952xf32, #tpu.memory_space<hbm>>
    %dma_wait3A_88 = tpu.memref_squeeze %dma_wait3A_87 : memref<1x49952xf32, #tpu.memory_space<hbm>> -> memref<49952xf32, #tpu.memory_space<hbm>>
    %dma_wait3A_89 = arith.constant 50048 : i32
    %dma_wait3A_90 = tpu.memref_slice %arg7[%add3A, %dma_wait3A_89] : memref<32x100000xf32, #tpu.memory_space<hbm>> -> memref<1x49952xf32, #tpu.memory_space<hbm>>
    %dma_wait3A_91 = tpu.memref_squeeze %dma_wait3A_90 : memref<1x49952xf32, #tpu.memory_space<hbm>> -> memref<49952xf32, #tpu.memory_space<hbm>>
    tpu.wait_dma2 semaphore(%arg17 : memref<!tpu.dma_semaphore, #tpu.memory_space<semaphore_mem>>) src(%dma_wait3A_91 : memref<49952xf32, #tpu.memory_space<hbm>>) dst(%arg12 : memref<49952xf32, #tpu.memory_space<vmem>>)
    %dma_start3A_92 = arith.constant 0 : i32
    %dma_start3A_93 = tpu.memref_slice %arg8[%add3A, %dma_start3A_92] : memref<32x100000xf32, #tpu.memory_space<hbm>> -> memref<1x50048xf32, #tpu.memory_space<hbm>>
    %dma_start3A_94 = tpu.memref_squeeze %dma_start3A_93 : memref<1x50048xf32, #tpu.memory_space<hbm>> -> memref<50048xf32, #tpu.memory_space<hbm>>
    %dma_start3A_95 = arith.constant 0 : i32
    %dma_start3A_96 = tpu.memref_slice %arg8[%add3A, %dma_start3A_95] : memref<32x100000xf32, #tpu.memory_space<hbm>> -> memref<1x50048xf32, #tpu.memory_space<hbm>>
    %dma_start3A_97 = tpu.memref_squeeze %dma_start3A_96 : memref<1x50048xf32, #tpu.memory_space<hbm>> -> memref<50048xf32, #tpu.memory_space<hbm>>
    tpu.enqueue_dma source(%dma_start3A_97 : memref<50048xf32, #tpu.memory_space<hbm>>) target(%arg11 : memref<50048xf32, #tpu.memory_space<vmem>>) target_semaphore(%arg16 : memref<!tpu.dma_semaphore, #tpu.memory_space<semaphore_mem>>)
    %scan3A_98 = arith.constant 0 : i32
    %scan3A_99 = arith.constant 4 : i32
    %scan3A_100 = arith.addi %scan3A_98, %scan3A_99 : i32
    %scan3A_101 = arith.constant 1 : i32
    scf.for %scan3A_207 = %scan3A_98 to %scan3A_100 step %scan3A_101  : i32 {
      %mul3A_208 = arith.constant 4096 : i32
      %mul3A_209 = arith.muli %scan3A_207, %mul3A_208 : i32
      %run_scoped3A = arith.constant 1 : i32
      "tpu.region"() ({
        %run_scoped3A_212 = tpu.sem_alloc : memref<!tpu.dma_semaphore, #tpu.memory_space<semaphore_mem>>
        %dma_start3A_213 = tpu.memref_slice %arg13[%run_scoped3A, %mul3A_209] : memref<4x16384xi32, #tpu.memory_space<vmem_shared>> -> memref<1x4096xi32, #tpu.memory_space<vmem_shared>>
        %dma_start3A_214 = tpu.memref_squeeze %dma_start3A_213 : memref<1x4096xi32, #tpu.memory_space<vmem_shared>> -> memref<4096xi32, #tpu.memory_space<vmem_shared>>
        %dma_start3A_215 = tpu.memref_slice %arg13[%run_scoped3A, %mul3A_209] : memref<4x16384xi32, #tpu.memory_space<vmem_shared>> -> memref<1x4096xi32, #tpu.memory_space<vmem_shared>>
        %dma_start3A_216 = tpu.memref_squeeze %dma_start3A_215 : memref<1x4096xi32, #tpu.memory_space<vmem_shared>> -> memref<4096xi32, #tpu.memory_space<vmem_shared>>
        tpu.enqueue_dma source(%dma_start3A_216 : memref<4096xi32, #tpu.memory_space<vmem_shared>>) target(%arg14 : memref<4096xi32, #tpu.memory_space<vmem>>) target_semaphore(%run_scoped3A_212 : memref<!tpu.dma_semaphore, #tpu.memory_space<semaphore_mem>>)
        %dma_wait3A_217 = tpu.memref_slice %arg13[%run_scoped3A, %mul3A_209] : memref<4x16384xi32, #tpu.memory_space<vmem_shared>> -> memref<1x4096xi32, #tpu.memory_space<vmem_shared>>
        %dma_wait3A_218 = tpu.memref_squeeze %dma_wait3A_217 : memref<1x4096xi32, #tpu.memory_space<vmem_shared>> -> memref<4096xi32, #tpu.memory_space<vmem_shared>>
        %dma_wait3A_219 = tpu.memref_slice %arg13[%run_scoped3A, %mul3A_209] : memref<4x16384xi32, #tpu.memory_space<vmem_shared>> -> memref<1x4096xi32, #tpu.memory_space<vmem_shared>>
        %dma_wait3A_220 = tpu.memref_squeeze %dma_wait3A_219 : memref<1x4096xi32, #tpu.memory_space<vmem_shared>> -> memref<4096xi32, #tpu.memory_space<vmem_shared>>
        tpu.wait_dma2 semaphore(%run_scoped3A_212 : memref<!tpu.dma_semaphore, #tpu.memory_space<semaphore_mem>>) src(%dma_wait3A_220 : memref<4096xi32, #tpu.memory_space<vmem_shared>>) dst(%arg14 : memref<4096xi32, #tpu.memory_space<vmem>>)
        tpu.yield
      }) : () -> ()
      %parallel_loop3A = arith.constant 0 : i32
      %parallel_loop3A_210 = arith.constant 256 : i32
      %parallel_loop3A_211 = arith.constant 1 : i32
      scf.for %parallel_loop3A_212 = %parallel_loop3A to %parallel_loop3A_210 step %parallel_loop3A_211  : i32 {
        %parallel_loop3A_213 = arith.constant 4096 : i32
        %parallel_loop3A_214 = arith.muli %scan3A_207, %parallel_loop3A_213 : i32
        %parallel_loop3A_215 = arith.constant 16 : i32
        %parallel_loop3A_216 = arith.muli %parallel_loop3A_212, %parallel_loop3A_215 : i32
        %parallel_loop3A_217 = arith.addi %parallel_loop3A_214, %parallel_loop3A_216 : i32
        %parallel_loop3A_218 = arith.constant 16 : i32
        %parallel_loop3A_219 = arith.muli %parallel_loop3A_212, %parallel_loop3A_218 : i32
        %parallel_loop3A_220 = arith.index_cast %parallel_loop3A_219 : i32 to index
        %parallel_loop3A_221 = tpu.vector_load %arg14[%parallel_loop3A_220] {strides = array<i32>} : memref<4096xi32, #tpu.memory_space<vmem>>, vector<16xi32>,
        %parallel_loop3A_222 = arith.constant 50048 : i32
        %parallel_loop3A_223 = vector.broadcast %parallel_loop3A_222 : i32 to vector<16xi32>
        %parallel_loop3A_224 = arith.cmpi sge, %parallel_loop3A_221, %parallel_loop3A_223 : vector<16xi32>
        %parallel_loop3A_225 = arith.constant 50048 : i32
        %parallel_loop3A_226 = vector.broadcast %parallel_loop3A_225 : i32 to vector<16xi32>
        %parallel_loop3A_227 = arith.subi %parallel_loop3A_221, %parallel_loop3A_226 : vector<16xi32>
        %parallel_loop3A_228 = tpu.vector_load_idx %arg12[%parallel_loop3A_227] masked %parallel_loop3A_224 : memref<49952xf32, #tpu.memory_space<vmem>>[vector<16xi32>], vector<16xf32>, vector<16xi1>
        %parallel_loop3A_229 = arith.index_cast %parallel_loop3A_217 : i32 to index
        %parallel_loop3A_230 = tpu.vector_load %arg15[%parallel_loop3A_229] {strides = array<i32>} : memref<16384xf32, #tpu.memory_space<vmem>>, vector<16xf32>,
        %parallel_loop3A_231 = arith.select %parallel_loop3A_224, %parallel_loop3A_228, %parallel_loop3A_230 : vector<16xi1>, vector<16xf32>
        %parallel_loop3A_232 = arith.index_cast %parallel_loop3A_217 : i32 to index
        %parallel_loop3A_233 = tpu.vector_load %arg15[%parallel_loop3A_232] {strides = array<i32>} : memref<16384xf32, #tpu.memory_space<vmem>>, vector<16xf32>,
        tpu.vector_store %arg15[%parallel_loop3A_232], %parallel_loop3A_231 {strides = array<i32>} : memref<16384xf32, #tpu.memory_space<vmem>>, vector<16xf32>,
      } {sc.loop_unroll_factor = 8 : i64, sc.parallel_access}
    }
    %scan3A_102 = arith.constant 4 : i32
    %add3A_103 = arith.constant 32 : i32
    %add3A_104 = arith.addi %add3A_103, %add3A : i32
    %dma_start3A_105 = arith.constant 0 : i32
    %dma_start3A_106 = tpu.memref_slice %arg10[%add3A_104, %dma_start3A_105] : memref<128x16384xf32, #tpu.memory_space<hbm>> -> memref<1x16384xf32, #tpu.memory_space<hbm>>
    %dma_start3A_107 = tpu.memref_squeeze %dma_start3A_106 : memref<1x16384xf32, #tpu.memory_space<hbm>> -> memref<16384xf32, #tpu.memory_space<hbm>>
    %dma_start3A_108 = arith.constant 0 : i32
    %dma_start3A_109 = tpu.memref_slice %arg10[%add3A_104, %dma_start3A_108] : memref<128x16384xf32, #tpu.memory_space<hbm>> -> memref<1x16384xf32, #tpu.memory_space<hbm>>
    %dma_start3A_110 = tpu.memref_squeeze %dma_start3A_109 : memref<1x16384xf32, #tpu.memory_space<hbm>> -> memref<16384xf32, #tpu.memory_space<hbm>>
    tpu.enqueue_dma source(%arg15 : memref<16384xf32, #tpu.memory_space<vmem>>) target(%dma_start3A_110 : memref<16384xf32, #tpu.memory_space<hbm>>) target_semaphore(%arg18 : memref<!tpu.dma_semaphore, #tpu.memory_space<semaphore_mem>>)
    %dma_start3A_111 = arith.constant 50048 : i32
    %dma_start3A_112 = tpu.memref_slice %arg8[%add3A, %dma_start3A_111] : memref<32x100000xf32, #tpu.memory_space<hbm>> -> memref<1x49952xf32, #tpu.memory_space<hbm>>
    %dma_start3A_113 = tpu.memref_squeeze %dma_start3A_112 : memref<1x49952xf32, #tpu.memory_space<hbm>> -> memref<49952xf32, #tpu.memory_space<hbm>>
    %dma_start3A_114 = arith.constant 50048 : i32
    %dma_start3A_115 = tpu.memref_slice %arg8[%add3A, %dma_start3A_114] : memref<32x100000xf32, #tpu.memory_space<hbm>> -> memref<1x49952xf32, #tpu.memory_space<hbm>>
    %dma_start3A_116 = tpu.memref_squeeze %dma_start3A_115 : memref<1x49952xf32, #tpu.memory_space<hbm>> -> memref<49952xf32, #tpu.memory_space<hbm>>
    tpu.enqueue_dma source(%dma_start3A_116 : memref<49952xf32, #tpu.memory_space<hbm>>) target(%arg12 : memref<49952xf32, #tpu.memory_space<vmem>>) target_semaphore(%arg17 : memref<!tpu.dma_semaphore, #tpu.memory_space<semaphore_mem>>)
    %dma_wait3A_117 = arith.constant 0 : i32
    %dma_wait3A_118 = tpu.memref_slice %arg8[%add3A, %dma_wait3A_117] : memref<32x100000xf32, #tpu.memory_space<hbm>> -> memref<1x50048xf32, #tpu.memory_space<hbm>>
    %dma_wait3A_119 = tpu.memref_squeeze %dma_wait3A_118 : memref<1x50048xf32, #tpu.memory_space<hbm>> -> memref<50048xf32, #tpu.memory_space<hbm>>
    %dma_wait3A_120 = arith.constant 0 : i32
    %dma_wait3A_121 = tpu.memref_slice %arg8[%add3A, %dma_wait3A_120] : memref<32x100000xf32, #tpu.memory_space<hbm>> -> memref<1x50048xf32, #tpu.memory_space<hbm>>
    %dma_wait3A_122 = tpu.memref_squeeze %dma_wait3A_121 : memref<1x50048xf32, #tpu.memory_space<hbm>> -> memref<50048xf32, #tpu.memory_space<hbm>>
    tpu.wait_dma2 semaphore(%arg16 : memref<!tpu.dma_semaphore, #tpu.memory_space<semaphore_mem>>) src(%dma_wait3A_122 : memref<50048xf32, #tpu.memory_space<hbm>>) dst(%arg11 : memref<50048xf32, #tpu.memory_space<vmem>>)
    %dma_wait3A_123 = arith.constant 0 : i32
    %dma_wait3A_124 = tpu.memref_slice %arg10[%add3A_104, %dma_wait3A_123] : memref<128x16384xf32, #tpu.memory_space<hbm>> -> memref<1x16384xf32, #tpu.memory_space<hbm>>
    %dma_wait3A_125 = tpu.memref_squeeze %dma_wait3A_124 : memref<1x16384xf32, #tpu.memory_space<hbm>> -> memref<16384xf32, #tpu.memory_space<hbm>>
    %dma_wait3A_126 = arith.constant 0 : i32
    %dma_wait3A_127 = tpu.memref_slice %arg10[%add3A_104, %dma_wait3A_126] : memref<128x16384xf32, #tpu.memory_space<hbm>> -> memref<1x16384xf32, #tpu.memory_space<hbm>>
    %dma_wait3A_128 = tpu.memref_squeeze %dma_wait3A_127 : memref<1x16384xf32, #tpu.memory_space<hbm>> -> memref<16384xf32, #tpu.memory_space<hbm>>
    tpu.wait_dma2 semaphore(%arg18 : memref<!tpu.dma_semaphore, #tpu.memory_space<semaphore_mem>>) src(%arg15 : memref<16384xf32, #tpu.memory_space<vmem>>) dst(%dma_wait3A_128 : memref<16384xf32, #tpu.memory_space<hbm>>)
    %scan3A_129 = arith.constant 0 : i32
    %scan3A_130 = arith.constant 4 : i32
    %scan3A_131 = arith.addi %scan3A_129, %scan3A_130 : i32
    %scan3A_132 = arith.constant 1 : i32
    scf.for %scan3A_207 = %scan3A_129 to %scan3A_131 step %scan3A_132  : i32 {
      %mul3A_208 = arith.constant 4096 : i32
      %mul3A_209 = arith.muli %scan3A_207, %mul3A_208 : i32
      %run_scoped3A = arith.constant 2 : i32
      "tpu.region"() ({
        %run_scoped3A_212 = tpu.sem_alloc : memref<!tpu.dma_semaphore, #tpu.memory_space<semaphore_mem>>
        %dma_start3A_213 = tpu.memref_slice %arg13[%run_scoped3A, %mul3A_209] : memref<4x16384xi32, #tpu.memory_space<vmem_shared>> -> memref<1x4096xi32, #tpu.memory_space<vmem_shared>>
        %dma_start3A_214 = tpu.memref_squeeze %dma_start3A_213 : memref<1x4096xi32, #tpu.memory_space<vmem_shared>> -> memref<4096xi32, #tpu.memory_space<vmem_shared>>
        %dma_start3A_215 = tpu.memref_slice %arg13[%run_scoped3A, %mul3A_209] : memref<4x16384xi32, #tpu.memory_space<vmem_shared>> -> memref<1x4096xi32, #tpu.memory_space<vmem_shared>>
        %dma_start3A_216 = tpu.memref_squeeze %dma_start3A_215 : memref<1x4096xi32, #tpu.memory_space<vmem_shared>> -> memref<4096xi32, #tpu.memory_space<vmem_shared>>
        tpu.enqueue_dma source(%dma_start3A_216 : memref<4096xi32, #tpu.memory_space<vmem_shared>>) target(%arg14 : memref<4096xi32, #tpu.memory_space<vmem>>) target_semaphore(%run_scoped3A_212 : memref<!tpu.dma_semaphore, #tpu.memory_space<semaphore_mem>>)
        %dma_wait3A_217 = tpu.memref_slice %arg13[%run_scoped3A, %mul3A_209] : memref<4x16384xi32, #tpu.memory_space<vmem_shared>> -> memref<1x4096xi32, #tpu.memory_space<vmem_shared>>
        %dma_wait3A_218 = tpu.memref_squeeze %dma_wait3A_217 : memref<1x4096xi32, #tpu.memory_space<vmem_shared>> -> memref<4096xi32, #tpu.memory_space<vmem_shared>>
        %dma_wait3A_219 = tpu.memref_slice %arg13[%run_scoped3A, %mul3A_209] : memref<4x16384xi32, #tpu.memory_space<vmem_shared>> -> memref<1x4096xi32, #tpu.memory_space<vmem_shared>>
        %dma_wait3A_220 = tpu.memref_squeeze %dma_wait3A_219 : memref<1x4096xi32, #tpu.memory_space<vmem_shared>> -> memref<4096xi32, #tpu.memory_space<vmem_shared>>
        tpu.wait_dma2 semaphore(%run_scoped3A_212 : memref<!tpu.dma_semaphore, #tpu.memory_space<semaphore_mem>>) src(%dma_wait3A_220 : memref<4096xi32, #tpu.memory_space<vmem_shared>>) dst(%arg14 : memref<4096xi32, #tpu.memory_space<vmem>>)
        tpu.yield
      }) : () -> ()
      %parallel_loop3A = arith.constant 0 : i32
      %parallel_loop3A_210 = arith.constant 256 : i32
      %parallel_loop3A_211 = arith.constant 1 : i32
      scf.for %parallel_loop3A_212 = %parallel_loop3A to %parallel_loop3A_210 step %parallel_loop3A_211  : i32 {
        %parallel_loop3A_213 = arith.constant 4096 : i32
        %parallel_loop3A_214 = arith.muli %scan3A_207, %parallel_loop3A_213 : i32
        %parallel_loop3A_215 = arith.constant 16 : i32
        %parallel_loop3A_216 = arith.muli %parallel_loop3A_212, %parallel_loop3A_215 : i32
        %parallel_loop3A_217 = arith.addi %parallel_loop3A_214, %parallel_loop3A_216 : i32
        %parallel_loop3A_218 = arith.constant 16 : i32
        %parallel_loop3A_219 = arith.muli %parallel_loop3A_212, %parallel_loop3A_218 : i32
        %parallel_loop3A_220 = arith.index_cast %parallel_loop3A_219 : i32 to index
        %parallel_loop3A_221 = tpu.vector_load %arg14[%parallel_loop3A_220] {strides = array<i32>} : memref<4096xi32, #tpu.memory_space<vmem>>, vector<16xi32>,
        %parallel_loop3A_222 = arith.constant 50048 : i32
        %parallel_loop3A_223 = vector.broadcast %parallel_loop3A_222 : i32 to vector<16xi32>
        %parallel_loop3A_224 = arith.cmpi slt, %parallel_loop3A_221, %parallel_loop3A_223 : vector<16xi32>
        %parallel_loop3A_225 = tpu.vector_load_idx %arg11[%parallel_loop3A_221] masked %parallel_loop3A_224 : memref<50048xf32, #tpu.memory_space<vmem>>[vector<16xi32>], vector<16xf32>, vector<16xi1>
        %parallel_loop3A_226 = arith.constant 0.000000e+00 : f32
        %parallel_loop3A_227 = vector.broadcast %parallel_loop3A_226 : f32 to vector<16xf32>
        %parallel_loop3A_228 = arith.select %parallel_loop3A_224, %parallel_loop3A_225, %parallel_loop3A_227 : vector<16xi1>, vector<16xf32>
        %parallel_loop3A_229 = arith.index_cast %parallel_loop3A_217 : i32 to index
        %parallel_loop3A_230 = tpu.vector_load %arg15[%parallel_loop3A_229] {strides = array<i32>} : memref<16384xf32, #tpu.memory_space<vmem>>, vector<16xf32>,
        tpu.vector_store %arg15[%parallel_loop3A_229], %parallel_loop3A_228 {strides = array<i32>} : memref<16384xf32, #tpu.memory_space<vmem>>, vector<16xf32>,
      } {sc.loop_unroll_factor = 8 : i64, sc.parallel_access}
    }
    %scan3A_133 = arith.constant 4 : i32
    %dma_wait3A_134 = arith.constant 50048 : i32
    %dma_wait3A_135 = tpu.memref_slice %arg8[%add3A, %dma_wait3A_134] : memref<32x100000xf32, #tpu.memory_space<hbm>> -> memref<1x49952xf32, #tpu.memory_space<hbm>>
    %dma_wait3A_136 = tpu.memref_squeeze %dma_wait3A_135 : memref<1x49952xf32, #tpu.memory_space<hbm>> -> memref<49952xf32, #tpu.memory_space<hbm>>
    %dma_wait3A_137 = arith.constant 50048 : i32
    %dma_wait3A_138 = tpu.memref_slice %arg8[%add3A, %dma_wait3A_137] : memref<32x100000xf32, #tpu.memory_space<hbm>> -> memref<1x49952xf32, #tpu.memory_space<hbm>>
    %dma_wait3A_139 = tpu.memref_squeeze %dma_wait3A_138 : memref<1x49952xf32, #tpu.memory_space<hbm>> -> memref<49952xf32, #tpu.memory_space<hbm>>
    tpu.wait_dma2 semaphore(%arg17 : memref<!tpu.dma_semaphore, #tpu.memory_space<semaphore_mem>>) src(%dma_wait3A_139 : memref<49952xf32, #tpu.memory_space<hbm>>) dst(%arg12 : memref<49952xf32, #tpu.memory_space<vmem>>)
    %dma_start3A_140 = arith.constant 0 : i32
    %dma_start3A_141 = tpu.memref_slice %arg9[%add3A, %dma_start3A_140] : memref<32x100000xf32, #tpu.memory_space<hbm>> -> memref<1x50048xf32, #tpu.memory_space<hbm>>
    %dma_start3A_142 = tpu.memref_squeeze %dma_start3A_141 : memref<1x50048xf32, #tpu.memory_space<hbm>> -> memref<50048xf32, #tpu.memory_space<hbm>>
    %dma_start3A_143 = arith.constant 0 : i32
    %dma_start3A_144 = tpu.memref_slice %arg9[%add3A, %dma_start3A_143] : memref<32x100000xf32, #tpu.memory_space<hbm>> -> memref<1x50048xf32, #tpu.memory_space<hbm>>
    %dma_start3A_145 = tpu.memref_squeeze %dma_start3A_144 : memref<1x50048xf32, #tpu.memory_space<hbm>> -> memref<50048xf32, #tpu.memory_space<hbm>>
    tpu.enqueue_dma source(%dma_start3A_145 : memref<50048xf32, #tpu.memory_space<hbm>>) target(%arg11 : memref<50048xf32, #tpu.memory_space<vmem>>) target_semaphore(%arg16 : memref<!tpu.dma_semaphore, #tpu.memory_space<semaphore_mem>>)
    %scan3A_146 = arith.constant 0 : i32
    %scan3A_147 = arith.constant 4 : i32
    %scan3A_148 = arith.addi %scan3A_146, %scan3A_147 : i32
    %scan3A_149 = arith.constant 1 : i32
    scf.for %scan3A_207 = %scan3A_146 to %scan3A_148 step %scan3A_149  : i32 {
      %mul3A_208 = arith.constant 4096 : i32
      %mul3A_209 = arith.muli %scan3A_207, %mul3A_208 : i32
      %run_scoped3A = arith.constant 2 : i32
      "tpu.region"() ({
        %run_scoped3A_212 = tpu.sem_alloc : memref<!tpu.dma_semaphore, #tpu.memory_space<semaphore_mem>>
        %dma_start3A_213 = tpu.memref_slice %arg13[%run_scoped3A, %mul3A_209] : memref<4x16384xi32, #tpu.memory_space<vmem_shared>> -> memref<1x4096xi32, #tpu.memory_space<vmem_shared>>
        %dma_start3A_214 = tpu.memref_squeeze %dma_start3A_213 : memref<1x4096xi32, #tpu.memory_space<vmem_shared>> -> memref<4096xi32, #tpu.memory_space<vmem_shared>>
        %dma_start3A_215 = tpu.memref_slice %arg13[%run_scoped3A, %mul3A_209] : memref<4x16384xi32, #tpu.memory_space<vmem_shared>> -> memref<1x4096xi32, #tpu.memory_space<vmem_shared>>
        %dma_start3A_216 = tpu.memref_squeeze %dma_start3A_215 : memref<1x4096xi32, #tpu.memory_space<vmem_shared>> -> memref<4096xi32, #tpu.memory_space<vmem_shared>>
        tpu.enqueue_dma source(%dma_start3A_216 : memref<4096xi32, #tpu.memory_space<vmem_shared>>) target(%arg14 : memref<4096xi32, #tpu.memory_space<vmem>>) target_semaphore(%run_scoped3A_212 : memref<!tpu.dma_semaphore, #tpu.memory_space<semaphore_mem>>)
        %dma_wait3A_217 = tpu.memref_slice %arg13[%run_scoped3A, %mul3A_209] : memref<4x16384xi32, #tpu.memory_space<vmem_shared>> -> memref<1x4096xi32, #tpu.memory_space<vmem_shared>>
        %dma_wait3A_218 = tpu.memref_squeeze %dma_wait3A_217 : memref<1x4096xi32, #tpu.memory_space<vmem_shared>> -> memref<4096xi32, #tpu.memory_space<vmem_shared>>
        %dma_wait3A_219 = tpu.memref_slice %arg13[%run_scoped3A, %mul3A_209] : memref<4x16384xi32, #tpu.memory_space<vmem_shared>> -> memref<1x4096xi32, #tpu.memory_space<vmem_shared>>
        %dma_wait3A_220 = tpu.memref_squeeze %dma_wait3A_219 : memref<1x4096xi32, #tpu.memory_space<vmem_shared>> -> memref<4096xi32, #tpu.memory_space<vmem_shared>>
        tpu.wait_dma2 semaphore(%run_scoped3A_212 : memref<!tpu.dma_semaphore, #tpu.memory_space<semaphore_mem>>) src(%dma_wait3A_220 : memref<4096xi32, #tpu.memory_space<vmem_shared>>) dst(%arg14 : memref<4096xi32, #tpu.memory_space<vmem>>)
        tpu.yield
      }) : () -> ()
      %parallel_loop3A = arith.constant 0 : i32
      %parallel_loop3A_210 = arith.constant 256 : i32
      %parallel_loop3A_211 = arith.constant 1 : i32
      scf.for %parallel_loop3A_212 = %parallel_loop3A to %parallel_loop3A_210 step %parallel_loop3A_211  : i32 {
        %parallel_loop3A_213 = arith.constant 4096 : i32
        %parallel_loop3A_214 = arith.muli %scan3A_207, %parallel_loop3A_213 : i32
        %parallel_loop3A_215 = arith.constant 16 : i32
        %parallel_loop3A_216 = arith.muli %parallel_loop3A_212, %parallel_loop3A_215 : i32
        %parallel_loop3A_217 = arith.addi %parallel_loop3A_214, %parallel_loop3A_216 : i32
        %parallel_loop3A_218 = arith.constant 16 : i32
        %parallel_loop3A_219 = arith.muli %parallel_loop3A_212, %parallel_loop3A_218 : i32
        %parallel_loop3A_220 = arith.index_cast %parallel_loop3A_219 : i32 to index
        %parallel_loop3A_221 = tpu.vector_load %arg14[%parallel_loop3A_220] {strides = array<i32>} : memref<4096xi32, #tpu.memory_space<vmem>>, vector<16xi32>,
        %parallel_loop3A_222 = arith.constant 50048 : i32
        %parallel_loop3A_223 = vector.broadcast %parallel_loop3A_222 : i32 to vector<16xi32>
        %parallel_loop3A_224 = arith.cmpi sge, %parallel_loop3A_221, %parallel_loop3A_223 : vector<16xi32>
        %parallel_loop3A_225 = arith.constant 50048 : i32
        %parallel_loop3A_226 = vector.broadcast %parallel_loop3A_225 : i32 to vector<16xi32>
        %parallel_loop3A_227 = arith.subi %parallel_loop3A_221, %parallel_loop3A_226 : vector<16xi32>
        %parallel_loop3A_228 = tpu.vector_load_idx %arg12[%parallel_loop3A_227] masked %parallel_loop3A_224 : memref<49952xf32, #tpu.memory_space<vmem>>[vector<16xi32>], vector<16xf32>, vector<16xi1>
        %parallel_loop3A_229 = arith.index_cast %parallel_loop3A_217 : i32 to index
        %parallel_loop3A_230 = tpu.vector_load %arg15[%parallel_loop3A_229] {strides = array<i32>} : memref<16384xf32, #tpu.memory_space<vmem>>, vector<16xf32>,
        %parallel_loop3A_231 = arith.select %parallel_loop3A_224, %parallel_loop3A_228, %parallel_loop3A_230 : vector<16xi1>, vector<16xf32>
        %parallel_loop3A_232 = arith.index_cast %parallel_loop3A_217 : i32 to index
        %parallel_loop3A_233 = tpu.vector_load %arg15[%parallel_loop3A_232] {strides = array<i32>} : memref<16384xf32, #tpu.memory_space<vmem>>, vector<16xf32>,
        tpu.vector_store %arg15[%parallel_loop3A_232], %parallel_loop3A_231 {strides = array<i32>} : memref<16384xf32, #tpu.memory_space<vmem>>, vector<16xf32>,
      } {sc.loop_unroll_factor = 8 : i64, sc.parallel_access}
    }
    %scan3A_150 = arith.constant 4 : i32
    %add3A_151 = arith.constant 64 : i32
    %add3A_152 = arith.addi %add3A_151, %add3A : i32
    %dma_start3A_153 = arith.constant 0 : i32
    %dma_start3A_154 = tpu.memref_slice %arg10[%add3A_152, %dma_start3A_153] : memref<128x16384xf32, #tpu.memory_space<hbm>> -> memref<1x16384xf32, #tpu.memory_space<hbm>>
    %dma_start3A_155 = tpu.memref_squeeze %dma_start3A_154 : memref<1x16384xf32, #tpu.memory_space<hbm>> -> memref<16384xf32, #tpu.memory_space<hbm>>
    %dma_start3A_156 = arith.constant 0 : i32
    %dma_start3A_157 = tpu.memref_slice %arg10[%add3A_152, %dma_start3A_156] : memref<128x16384xf32, #tpu.memory_space<hbm>> -> memref<1x16384xf32, #tpu.memory_space<hbm>>
    %dma_start3A_158 = tpu.memref_squeeze %dma_start3A_157 : memref<1x16384xf32, #tpu.memory_space<hbm>> -> memref<16384xf32, #tpu.memory_space<hbm>>
    tpu.enqueue_dma source(%arg15 : memref<16384xf32, #tpu.memory_space<vmem>>) target(%dma_start3A_158 : memref<16384xf32, #tpu.memory_space<hbm>>) target_semaphore(%arg18 : memref<!tpu.dma_semaphore, #tpu.memory_space<semaphore_mem>>)
    %dma_start3A_159 = arith.constant 50048 : i32
    %dma_start3A_160 = tpu.memref_slice %arg9[%add3A, %dma_start3A_159] : memref<32x100000xf32, #tpu.memory_space<hbm>> -> memref<1x49952xf32, #tpu.memory_space<hbm>>
    %dma_start3A_161 = tpu.memref_squeeze %dma_start3A_160 : memref<1x49952xf32, #tpu.memory_space<hbm>> -> memref<49952xf32, #tpu.memory_space<hbm>>
    %dma_start3A_162 = arith.constant 50048 : i32
    %dma_start3A_163 = tpu.memref_slice %arg9[%add3A, %dma_start3A_162] : memref<32x100000xf32, #tpu.memory_space<hbm>> -> memref<1x49952xf32, #tpu.memory_space<hbm>>
    %dma_start3A_164 = tpu.memref_squeeze %dma_start3A_163 : memref<1x49952xf32, #tpu.memory_space<hbm>> -> memref<49952xf32, #tpu.memory_space<hbm>>
    tpu.enqueue_dma source(%dma_start3A_164 : memref<49952xf32, #tpu.memory_space<hbm>>) target(%arg12 : memref<49952xf32, #tpu.memory_space<vmem>>) target_semaphore(%arg17 : memref<!tpu.dma_semaphore, #tpu.memory_space<semaphore_mem>>)
    %dma_wait3A_165 = arith.constant 0 : i32
    %dma_wait3A_166 = tpu.memref_slice %arg9[%add3A, %dma_wait3A_165] : memref<32x100000xf32, #tpu.memory_space<hbm>> -> memref<1x50048xf32, #tpu.memory_space<hbm>>
    %dma_wait3A_167 = tpu.memref_squeeze %dma_wait3A_166 : memref<1x50048xf32, #tpu.memory_space<hbm>> -> memref<50048xf32, #tpu.memory_space<hbm>>
    %dma_wait3A_168 = arith.constant 0 : i32
    %dma_wait3A_169 = tpu.memref_slice %arg9[%add3A, %dma_wait3A_168] : memref<32x100000xf32, #tpu.memory_space<hbm>> -> memref<1x50048xf32, #tpu.memory_space<hbm>>
    %dma_wait3A_170 = tpu.memref_squeeze %dma_wait3A_169 : memref<1x50048xf32, #tpu.memory_space<hbm>> -> memref<50048xf32, #tpu.memory_space<hbm>>
    tpu.wait_dma2 semaphore(%arg16 : memref<!tpu.dma_semaphore, #tpu.memory_space<semaphore_mem>>) src(%dma_wait3A_170 : memref<50048xf32, #tpu.memory_space<hbm>>) dst(%arg11 : memref<50048xf32, #tpu.memory_space<vmem>>)
    %dma_wait3A_171 = arith.constant 0 : i32
    %dma_wait3A_172 = tpu.memref_slice %arg10[%add3A_152, %dma_wait3A_171] : memref<128x16384xf32, #tpu.memory_space<hbm>> -> memref<1x16384xf32, #tpu.memory_space<hbm>>
    %dma_wait3A_173 = tpu.memref_squeeze %dma_wait3A_172 : memref<1x16384xf32, #tpu.memory_space<hbm>> -> memref<16384xf32, #tpu.memory_space<hbm>>
    %dma_wait3A_174 = arith.constant 0 : i32
    %dma_wait3A_175 = tpu.memref_slice %arg10[%add3A_152, %dma_wait3A_174] : memref<128x16384xf32, #tpu.memory_space<hbm>> -> memref<1x16384xf32, #tpu.memory_space<hbm>>
    %dma_wait3A_176 = tpu.memref_squeeze %dma_wait3A_175 : memref<1x16384xf32, #tpu.memory_space<hbm>> -> memref<16384xf32, #tpu.memory_space<hbm>>
    tpu.wait_dma2 semaphore(%arg18 : memref<!tpu.dma_semaphore, #tpu.memory_space<semaphore_mem>>) src(%arg15 : memref<16384xf32, #tpu.memory_space<vmem>>) dst(%dma_wait3A_176 : memref<16384xf32, #tpu.memory_space<hbm>>)
    %scan3A_177 = arith.constant 0 : i32
    %scan3A_178 = arith.constant 4 : i32
    %scan3A_179 = arith.addi %scan3A_177, %scan3A_178 : i32
    %scan3A_180 = arith.constant 1 : i32
    scf.for %scan3A_207 = %scan3A_177 to %scan3A_179 step %scan3A_180  : i32 {
      %mul3A_208 = arith.constant 4096 : i32
      %mul3A_209 = arith.muli %scan3A_207, %mul3A_208 : i32
      %run_scoped3A = arith.constant 3 : i32
      "tpu.region"() ({
        %run_scoped3A_212 = tpu.sem_alloc : memref<!tpu.dma_semaphore, #tpu.memory_space<semaphore_mem>>
        %dma_start3A_213 = tpu.memref_slice %arg13[%run_scoped3A, %mul3A_209] : memref<4x16384xi32, #tpu.memory_space<vmem_shared>> -> memref<1x4096xi32, #tpu.memory_space<vmem_shared>>
        %dma_start3A_214 = tpu.memref_squeeze %dma_start3A_213 : memref<1x4096xi32, #tpu.memory_space<vmem_shared>> -> memref<4096xi32, #tpu.memory_space<vmem_shared>>
        %dma_start3A_215 = tpu.memref_slice %arg13[%run_scoped3A, %mul3A_209] : memref<4x16384xi32, #tpu.memory_space<vmem_shared>> -> memref<1x4096xi32, #tpu.memory_space<vmem_shared>>
        %dma_start3A_216 = tpu.memref_squeeze %dma_start3A_215 : memref<1x4096xi32, #tpu.memory_space<vmem_shared>> -> memref<4096xi32, #tpu.memory_space<vmem_shared>>
        tpu.enqueue_dma source(%dma_start3A_216 : memref<4096xi32, #tpu.memory_space<vmem_shared>>) target(%arg14 : memref<4096xi32, #tpu.memory_space<vmem>>) target_semaphore(%run_scoped3A_212 : memref<!tpu.dma_semaphore, #tpu.memory_space<semaphore_mem>>)
        %dma_wait3A_217 = tpu.memref_slice %arg13[%run_scoped3A, %mul3A_209] : memref<4x16384xi32, #tpu.memory_space<vmem_shared>> -> memref<1x4096xi32, #tpu.memory_space<vmem_shared>>
        %dma_wait3A_218 = tpu.memref_squeeze %dma_wait3A_217 : memref<1x4096xi32, #tpu.memory_space<vmem_shared>> -> memref<4096xi32, #tpu.memory_space<vmem_shared>>
        %dma_wait3A_219 = tpu.memref_slice %arg13[%run_scoped3A, %mul3A_209] : memref<4x16384xi32, #tpu.memory_space<vmem_shared>> -> memref<1x4096xi32, #tpu.memory_space<vmem_shared>>
        %dma_wait3A_220 = tpu.memref_squeeze %dma_wait3A_219 : memref<1x4096xi32, #tpu.memory_space<vmem_shared>> -> memref<4096xi32, #tpu.memory_space<vmem_shared>>
        tpu.wait_dma2 semaphore(%run_scoped3A_212 : memref<!tpu.dma_semaphore, #tpu.memory_space<semaphore_mem>>) src(%dma_wait3A_220 : memref<4096xi32, #tpu.memory_space<vmem_shared>>) dst(%arg14 : memref<4096xi32, #tpu.memory_space<vmem>>)
        tpu.yield
      }) : () -> ()
      %parallel_loop3A = arith.constant 0 : i32
      %parallel_loop3A_210 = arith.constant 256 : i32
      %parallel_loop3A_211 = arith.constant 1 : i32
      scf.for %parallel_loop3A_212 = %parallel_loop3A to %parallel_loop3A_210 step %parallel_loop3A_211  : i32 {
        %parallel_loop3A_213 = arith.constant 4096 : i32
        %parallel_loop3A_214 = arith.muli %scan3A_207, %parallel_loop3A_213 : i32
        %parallel_loop3A_215 = arith.constant 16 : i32
        %parallel_loop3A_216 = arith.muli %parallel_loop3A_212, %parallel_loop3A_215 : i32
        %parallel_loop3A_217 = arith.addi %parallel_loop3A_214, %parallel_loop3A_216 : i32
        %parallel_loop3A_218 = arith.constant 16 : i32
        %parallel_loop3A_219 = arith.muli %parallel_loop3A_212, %parallel_loop3A_218 : i32
        %parallel_loop3A_220 = arith.index_cast %parallel_loop3A_219 : i32 to index
        %parallel_loop3A_221 = tpu.vector_load %arg14[%parallel_loop3A_220] {strides = array<i32>} : memref<4096xi32, #tpu.memory_space<vmem>>, vector<16xi32>,
        %parallel_loop3A_222 = arith.constant 50048 : i32
        %parallel_loop3A_223 = vector.broadcast %parallel_loop3A_222 : i32 to vector<16xi32>
        %parallel_loop3A_224 = arith.cmpi slt, %parallel_loop3A_221, %parallel_loop3A_223 : vector<16xi32>
        %parallel_loop3A_225 = tpu.vector_load_idx %arg11[%parallel_loop3A_221] masked %parallel_loop3A_224 : memref<50048xf32, #tpu.memory_space<vmem>>[vector<16xi32>], vector<16xf32>, vector<16xi1>
        %parallel_loop3A_226 = arith.constant 0.000000e+00 : f32
        %parallel_loop3A_227 = vector.broadcast %parallel_loop3A_226 : f32 to vector<16xf32>
        %parallel_loop3A_228 = arith.select %parallel_loop3A_224, %parallel_loop3A_225, %parallel_loop3A_227 : vector<16xi1>, vector<16xf32>
        %parallel_loop3A_229 = arith.index_cast %parallel_loop3A_217 : i32 to index
        %parallel_loop3A_230 = tpu.vector_load %arg15[%parallel_loop3A_229] {strides = array<i32>} : memref<16384xf32, #tpu.memory_space<vmem>>, vector<16xf32>,
        tpu.vector_store %arg15[%parallel_loop3A_229], %parallel_loop3A_228 {strides = array<i32>} : memref<16384xf32, #tpu.memory_space<vmem>>, vector<16xf32>,
      } {sc.loop_unroll_factor = 8 : i64, sc.parallel_access}
    }
    %scan3A_181 = arith.constant 4 : i32
    %dma_wait3A_182 = arith.constant 50048 : i32
    %dma_wait3A_183 = tpu.memref_slice %arg9[%add3A, %dma_wait3A_182] : memref<32x100000xf32, #tpu.memory_space<hbm>> -> memref<1x49952xf32, #tpu.memory_space<hbm>>
    %dma_wait3A_184 = tpu.memref_squeeze %dma_wait3A_183 : memref<1x49952xf32, #tpu.memory_space<hbm>> -> memref<49952xf32, #tpu.memory_space<hbm>>
    %dma_wait3A_185 = arith.constant 50048 : i32
    %dma_wait3A_186 = tpu.memref_slice %arg9[%add3A, %dma_wait3A_185] : memref<32x100000xf32, #tpu.memory_space<hbm>> -> memref<1x49952xf32, #tpu.memory_space<hbm>>
    %dma_wait3A_187 = tpu.memref_squeeze %dma_wait3A_186 : memref<1x49952xf32, #tpu.memory_space<hbm>> -> memref<49952xf32, #tpu.memory_space<hbm>>
    tpu.wait_dma2 semaphore(%arg17 : memref<!tpu.dma_semaphore, #tpu.memory_space<semaphore_mem>>) src(%dma_wait3A_187 : memref<49952xf32, #tpu.memory_space<hbm>>) dst(%arg12 : memref<49952xf32, #tpu.memory_space<vmem>>)
    %scan3A_188 = arith.constant 0 : i32
    %scan3A_189 = arith.constant 4 : i32
    %scan3A_190 = arith.addi %scan3A_188, %scan3A_189 : i32
    %scan3A_191 = arith.constant 1 : i32
    scf.for %scan3A_207 = %scan3A_188 to %scan3A_190 step %scan3A_191  : i32 {
      %mul3A_208 = arith.constant 4096 : i32
      %mul3A_209 = arith.muli %scan3A_207, %mul3A_208 : i32
      %run_scoped3A = arith.constant 3 : i32
      "tpu.region"() ({
        %run_scoped3A_212 = tpu.sem_alloc : memref<!tpu.dma_semaphore, #tpu.memory_space<semaphore_mem>>
        %dma_start3A_213 = tpu.memref_slice %arg13[%run_scoped3A, %mul3A_209] : memref<4x16384xi32, #tpu.memory_space<vmem_shared>> -> memref<1x4096xi32, #tpu.memory_space<vmem_shared>>
        %dma_start3A_214 = tpu.memref_squeeze %dma_start3A_213 : memref<1x4096xi32, #tpu.memory_space<vmem_shared>> -> memref<4096xi32, #tpu.memory_space<vmem_shared>>
        %dma_start3A_215 = tpu.memref_slice %arg13[%run_scoped3A, %mul3A_209] : memref<4x16384xi32, #tpu.memory_space<vmem_shared>> -> memref<1x4096xi32, #tpu.memory_space<vmem_shared>>
        %dma_start3A_216 = tpu.memref_squeeze %dma_start3A_215 : memref<1x4096xi32, #tpu.memory_space<vmem_shared>> -> memref<4096xi32, #tpu.memory_space<vmem_shared>>
        tpu.enqueue_dma source(%dma_start3A_216 : memref<4096xi32, #tpu.memory_space<vmem_shared>>) target(%arg14 : memref<4096xi32, #tpu.memory_space<vmem>>) target_semaphore(%run_scoped3A_212 : memref<!tpu.dma_semaphore, #tpu.memory_space<semaphore_mem>>)
        %dma_wait3A_217 = tpu.memref_slice %arg13[%run_scoped3A, %mul3A_209] : memref<4x16384xi32, #tpu.memory_space<vmem_shared>> -> memref<1x4096xi32, #tpu.memory_space<vmem_shared>>
        %dma_wait3A_218 = tpu.memref_squeeze %dma_wait3A_217 : memref<1x4096xi32, #tpu.memory_space<vmem_shared>> -> memref<4096xi32, #tpu.memory_space<vmem_shared>>
        %dma_wait3A_219 = tpu.memref_slice %arg13[%run_scoped3A, %mul3A_209] : memref<4x16384xi32, #tpu.memory_space<vmem_shared>> -> memref<1x4096xi32, #tpu.memory_space<vmem_shared>>
        %dma_wait3A_220 = tpu.memref_squeeze %dma_wait3A_219 : memref<1x4096xi32, #tpu.memory_space<vmem_shared>> -> memref<4096xi32, #tpu.memory_space<vmem_shared>>
        tpu.wait_dma2 semaphore(%run_scoped3A_212 : memref<!tpu.dma_semaphore, #tpu.memory_space<semaphore_mem>>) src(%dma_wait3A_220 : memref<4096xi32, #tpu.memory_space<vmem_shared>>) dst(%arg14 : memref<4096xi32, #tpu.memory_space<vmem>>)
        tpu.yield
      }) : () -> ()
      %parallel_loop3A = arith.constant 0 : i32
      %parallel_loop3A_210 = arith.constant 256 : i32
      %parallel_loop3A_211 = arith.constant 1 : i32
      scf.for %parallel_loop3A_212 = %parallel_loop3A to %parallel_loop3A_210 step %parallel_loop3A_211  : i32 {
        %parallel_loop3A_213 = arith.constant 4096 : i32
        %parallel_loop3A_214 = arith.muli %scan3A_207, %parallel_loop3A_213 : i32
        %parallel_loop3A_215 = arith.constant 16 : i32
        %parallel_loop3A_216 = arith.muli %parallel_loop3A_212, %parallel_loop3A_215 : i32
        %parallel_loop3A_217 = arith.addi %parallel_loop3A_214, %parallel_loop3A_216 : i32
        %parallel_loop3A_218 = arith.constant 16 : i32
        %parallel_loop3A_219 = arith.muli %parallel_loop3A_212, %parallel_loop3A_218 : i32
        %parallel_loop3A_220 = arith.index_cast %parallel_loop3A_219 : i32 to index
        %parallel_loop3A_221 = tpu.vector_load %arg14[%parallel_loop3A_220] {strides = array<i32>} : memref<4096xi32, #tpu.memory_space<vmem>>, vector<16xi32>,
        %parallel_loop3A_222 = arith.constant 50048 : i32
        %parallel_loop3A_223 = vector.broadcast %parallel_loop3A_222 : i32 to vector<16xi32>
        %parallel_loop3A_224 = arith.cmpi sge, %parallel_loop3A_221, %parallel_loop3A_223 : vector<16xi32>
        %parallel_loop3A_225 = arith.constant 50048 : i32
        %parallel_loop3A_226 = vector.broadcast %parallel_loop3A_225 : i32 to vector<16xi32>
        %parallel_loop3A_227 = arith.subi %parallel_loop3A_221, %parallel_loop3A_226 : vector<16xi32>
        %parallel_loop3A_228 = tpu.vector_load_idx %arg12[%parallel_loop3A_227] masked %parallel_loop3A_224 : memref<49952xf32, #tpu.memory_space<vmem>>[vector<16xi32>], vector<16xf32>, vector<16xi1>
        %parallel_loop3A_229 = arith.index_cast %parallel_loop3A_217 : i32 to index
        %parallel_loop3A_230 = tpu.vector_load %arg15[%parallel_loop3A_229] {strides = array<i32>} : memref<16384xf32, #tpu.memory_space<vmem>>, vector<16xf32>,
        %parallel_loop3A_231 = arith.select %parallel_loop3A_224, %parallel_loop3A_228, %parallel_loop3A_230 : vector<16xi1>, vector<16xf32>
        %parallel_loop3A_232 = arith.index_cast %parallel_loop3A_217 : i32 to index
        %parallel_loop3A_233 = tpu.vector_load %arg15[%parallel_loop3A_232] {strides = array<i32>} : memref<16384xf32, #tpu.memory_space<vmem>>, vector<16xf32>,
        tpu.vector_store %arg15[%parallel_loop3A_232], %parallel_loop3A_231 {strides = array<i32>} : memref<16384xf32, #tpu.memory_space<vmem>>, vector<16xf32>,
      } {sc.loop_unroll_factor = 8 : i64, sc.parallel_access}
    }
    %scan3A_192 = arith.constant 4 : i32
    %add3A_193 = arith.constant 96 : i32
    %add3A_194 = arith.addi %add3A_193, %add3A : i32
    %dma_start3A_195 = arith.constant 0 : i32
    %dma_start3A_196 = tpu.memref_slice %arg10[%add3A_194, %dma_start3A_195] : memref<128x16384xf32, #tpu.memory_space<hbm>> -> memref<1x16384xf32, #tpu.memory_space<hbm>>
    %dma_start3A_197 = tpu.memref_squeeze %dma_start3A_196 : memref<1x16384xf32, #tpu.memory_space<hbm>> -> memref<16384xf32, #tpu.memory_space<hbm>>
    %dma_start3A_198 = arith.constant 0 : i32
    %dma_start3A_199 = tpu.memref_slice %arg10[%add3A_194, %dma_start3A_198] : memref<128x16384xf32, #tpu.memory_space<hbm>> -> memref<1x16384xf32, #tpu.memory_space<hbm>>
    %dma_start3A_200 = tpu.memref_squeeze %dma_start3A_199 : memref<1x16384xf32, #tpu.memory_space<hbm>> -> memref<16384xf32, #tpu.memory_space<hbm>>
    tpu.enqueue_dma source(%arg15 : memref<16384xf32, #tpu.memory_space<vmem>>) target(%dma_start3A_200 : memref<16384xf32, #tpu.memory_space<hbm>>) target_semaphore(%arg18 : memref<!tpu.dma_semaphore, #tpu.memory_space<semaphore_mem>>)
    %dma_wait3A_201 = arith.constant 0 : i32
    %dma_wait3A_202 = tpu.memref_slice %arg10[%add3A_194, %dma_wait3A_201] : memref<128x16384xf32, #tpu.memory_space<hbm>> -> memref<1x16384xf32, #tpu.memory_space<hbm>>
    %dma_wait3A_203 = tpu.memref_squeeze %dma_wait3A_202 : memref<1x16384xf32, #tpu.memory_space<hbm>> -> memref<16384xf32, #tpu.memory_space<hbm>>
    %dma_wait3A_204 = arith.constant 0 : i32
    %dma_wait3A_205 = tpu.memref_slice %arg10[%add3A_194, %dma_wait3A_204] : memref<128x16384xf32, #tpu.memory_space<hbm>> -> memref<1x16384xf32, #tpu.memory_space<hbm>>
    %dma_wait3A_206 = tpu.memref_squeeze %dma_wait3A_205 : memref<1x16384xf32, #tpu.memory_space<hbm>> -> memref<16384xf32, #tpu.memory_space<hbm>>
    tpu.wait_dma2 semaphore(%arg18 : memref<!tpu.dma_semaphore, #tpu.memory_space<semaphore_mem>>) src(%arg15 : memref<16384xf32, #tpu.memory_space<vmem>>) dst(%dma_wait3A_206 : memref<16384xf32, #tpu.memory_space<hbm>>)
    return
  }
}

</mosaic_0001>

<sc_bundles>
// kernel: _sc_gather.3.cloned.1.call-start
scs
__scs_entry_jumppad:
0x0: {  	(pc) =	sbr.rel $0x88, $3  }
0x1: {  	(tag) =	ssettag $0x0;
	lr =	simm.s32 $0x1  }
0x2: {  	[smem:$0x3F99] =	sst lr;
	_ =	strace $0xD0000000  }
0x3: {  	_ = 	snop  }
0x4: {  	_ = 	snop  }
0x5: {  	_ = 	snop  }
0x6: {  	_ = 	snop  }
0x7: {  	_ = 	snop  }
__scs_overlays_trampoline_lowered:
0x8: {  	[smem:$0x3FA8] =	sst s0  }
0x9: {  	[smem:$0x3FA9] =	sst s1  }
0xa: {  	[smem:$0x3FAA] =	sst s2  }
0xb: {  	[smem:$0x3FAB] =	sst s3  }
0xc: {  	[smem:$0x3FAC] =	sst s4  }
0xd: {  	[smem:$0x3FAD] =	sst s5  }
0xe: {  	[smem:$0x3FAE] =	sst s6  }
0xf: {  	[smem:$0x3FAF] =	sst s7  }
0x10: {  	[smem:$0x3FB0] =	sst s8  }
0x11: {  	[smem:$0x3FB1] =	sst s9;
	s0 =	simm.s32 @!p0 $0x0  }
0x12: {  	s1 =	sld [smem:$0x3F97];
	s0 =	simm.s32 @p0 $0x1  }
0x13: {  	[smem:$0x3FB2] =	sst s0;
	s0 =	simm.s32 @!p1 $0x0  }
0x14: {  	s2 =	sld [smem:$0x3F96];
	s0 =	simm.s32 @p1 $0x1  }
0x15: {  	[smem:$0x3FB3] =	sst s0;
	s0 =	simm.s32 @!p2 $0x0  }
0x16: {  	s3 =	sld [smem:$0x3FDB];
	s0 =	simm.s32 @p2 $0x1  }
0x17: {  	s4 =	simm.s32 $0x1BF5;
	[smem:$0x3FB5] =	sst s0  }
0x18: {  	s0 =	sld [smem:$0x3F98];
	_ =	swait.ge [sflag:s4], $0x0  }
0x19: {  	s7 =	sld [smem:$0x3F99]  }
0x1a: {  	s8 =	sadd.s32 $0xFFFFE003, lr  }
0x1b: {  	s9 =	sadd.s32 $0xFFFFFEF7, lr;
	s5 =	simm.s32 $0xFFFFFFFF;
	p2 =	slt.u32 s8, $0xFFFFF086  }
0x1c: {  	p1 =	slt.u32 s9, $0xF7A;
	s5 =	simm.s32 @!p2 $0x0  }
0x1d: {  	s5 =	simm.s32 @p1 $0x1;
	p0 =	seq.s32 s7, s2  }
0x1e: {  	s7 =	smul.u32 @!p0 $0xF7A, s2;
	p2 =	seq.s32 @!p0 s5, $0x0  }
0x1f: {  	s9 =	smul.u32 $0xF7A, s1;
	s8 =	simm.s32 @!p0 $0x1BF5;
	p2 =	por !p2, p0  }
0x20: {  	[sflag:s8] =	ssyncset.s32 @!p0 $0xFFFFF086;
	s6 =	sadd.s32 @!p0 s3, s7;
	s7 =	simm.s32 @!p0 $0x108  }
0x21: {  	s3 =	sadd.s32 s3, s9;
	s6 =	sadd.s32 @!p0 $0x88, s6;
	s7 =	simm.s32 @p2 $0x1082  }
0x22: {  	[simem:s7], [sflag:s8] =	dma.local @!p0 [hbm:s6], $0xF7A  }
0x23: {  	s9 =	sor.u32 $0xD0000000, s2;
	s6 =	simm.s32 $0x108;
	_ =	swait.ge @!p0 [sflag:s8], $0x0  }
0x24: {  	s3 =	sadd.s32 $0x88, s3;
	s6 =	simm.s32 @!p1 $0x1082;
	[sflag:s4] =	ssyncset.s32 $0xFFFFF086  }
0x25: {  	[simem:s6], [sflag:s4] =	dma.local [hbm:s3], $0xF7A  }
0x26: {  	[smem:$0x3F99] =	sst s1;
	(tag) =	ssettag s2;
	_ =	strace s9  }
0x27: {  	s1 =	sld [smem:$0x3FA9]  }
0x28: {  	s2 =	sld [smem:$0x3FAA]  }
0x29: {  	s4 =	sld [smem:$0x3FAC]  }
0x2a: {  	p0 =	seq.s32 s5, $0x0;
	s5 =	sld [smem:$0x3FAD]  }
0x2b: {  	s6 =	sld [smem:$0x3FAE]  }
0x2c: {  	s7 =	sld [smem:$0x3FAF]  }
0x2d: {  	s3 =	simm.s32 $0x108;
	s8 =	sld [smem:$0x3FB0]  }
0x2e: {  	s3 =	simm.s32 @!p0 $0x1082;
	s9 =	sld [smem:$0x3FB1]  }
0x2f: {  	lr =	sadd.s32 s0, s3;
	s0 =	sld [smem:$0x3FA8]  }
0x30: {  	s3 =	sld [smem:$0x3FAB]  }
0x31: {  	[smem:$0x3FB4] =	sst s10  }
0x32: {  	s10 =	sld [smem:$0x3FB2];
	_ =	sdelay $0x3  }
0x33: {  	p0 =	seq.s32 s10, $0x1;
	s10 =	sld [smem:$0x3FB4];
	_ =	sdelay $0x3  }
0x34: {  	[smem:$0x3FB4] =	sst s10  }
0x35: {  	s10 =	sld [smem:$0x3FB3];
	_ =	sdelay $0x3  }
0x36: {  	p1 =	seq.s32 s10, $0x1;
	s10 =	sld [smem:$0x3FB4];
	_ =	sdelay $0x3  }
0x37: {  	[smem:$0x3FB4] =	sst s10  }
0x38: {  	s10 =	sld [smem:$0x3FB5]  }
0x39: {  	_ = 	snop;
	(pc) =	sbr.ind lr, $3  }
0x3a: {  	_ = 	snop  }
0x3b: {  	_ = 	snop  }
0x3c: {  	p2 =	seq.s32 s10, $0x1;
	s10 =	sld [smem:$0x3FB4]  }
0x3d: {  	_ =	shalt  }
0x3e: {  	_ =	shalt  }
0x3f: {  	_ =	shalt  }
0x40: {  	_ =	shalt  }
0x41: {  	_ =	shalt  }
0x42: {  	_ =	shalt  }
0x43: {  	_ =	shalt  }
0x44: {  	_ =	shalt  }
0x45: {  	_ =	shalt  }
0x46: {  	_ =	shalt  }
0x47: {  	_ =	shalt  }
0x48: {  	_ =	shalt  }
0x49: {  	_ =	shalt  }
0x4a: {  	_ =	shalt  }
0x4b: {  	_ =	shalt  }
0x4c: {  	_ =	shalt  }
0x4d: {  	_ =	shalt  }
0x4e: {  	_ =	shalt  }
0x4f: {  	_ =	shalt  }
0x50: {  	_ =	shalt  }
0x51: {  	_ =	shalt  }
0x52: {  	_ =	shalt  }
0x53: {  	_ =	shalt  }
0x54: {  	_ =	shalt  }
0x55: {  	_ =	shalt  }
0x56: {  	_ =	shalt  }
0x57: {  	_ =	shalt  }
0x58: {  	_ =	shalt  }
0x59: {  	_ =	shalt  }
0x5a: {  	_ =	shalt  }
0x5b: {  	_ =	shalt  }
0x5c: {  	_ =	shalt  }
0x5d: {  	_ =	shalt  }
0x5e: {  	_ =	shalt  }
0x5f: {  	_ =	shalt  }
0x60: {  	_ =	shalt  }
0x61: {  	_ =	shalt  }
0x62: {  	_ =	shalt  }
0x63: {  	_ =	shalt  }
0x64: {  	_ =	shalt  }
0x65: {  	_ =	shalt  }
0x66: {  	_ =	shalt  }
0x67: {  	_ =	shalt  }
0x68: {  	_ =	shalt  }
0x69: {  	_ =	shalt  }
0x6a: {  	_ =	shalt  }
0x6b: {  	_ =	shalt  }
0x6c: {  	_ =	shalt  }
0x6d: {  	_ =	shalt  }
0x6e: {  	_ =	shalt  }
0x6f: {  	_ =	shalt  }
0x70: {  	_ =	shalt  }
0x71: {  	_ =	shalt  }
0x72: {  	_ =	shalt  }
0x73: {  	_ =	shalt  }
0x74: {  	_ =	shalt  }
0x75: {  	_ =	shalt  }
0x76: {  	_ =	shalt  }
0x77: {  	_ =	shalt  }
0x78: {  	_ =	shalt  }
0x79: {  	_ =	shalt  }
0x7a: {  	_ =	shalt  }
0x7b: {  	_ =	shalt  }
0x7c: {  	_ =	shalt  }
0x7d: {  	_ =	shalt  }
0x7e: {  	_ =	shalt  }
0x7f: {  	_ =	shalt  }
0x80: {  	_ =	shalt  }
0x81: {  	_ =	shalt  }
0x82: {  	_ =	shalt  }
0x83: {  	_ =	shalt  }
0x84: {  	_ =	shalt  }
0x85: {  	_ =	shalt  }
0x86: {  	_ =	shalt  }
0x87: {  	_ =	shalt  }
.Lfunc_end0:
.L_simem_size_0:
called_computation_lowered:
.L_overlay_start_0:
0x88: {  	s2 =	sld [smem:$0x3FD9]  }
0x89: {  	s3 =	sld [smem:$0x3FFE];
	_ =	sdelay $0x1  }
0x8a: {  	s1 =	srdreg.scid  }
0x8b: {  	s0 =	sand.u32 $0x1, s1  }
0x8c: {  	s18 =	sshll.u32 s0, $0xA;
	s2 =	sadd.s32 s3, s2  }
0x8d: {  	s2 =	sadd.s32 s2, s18  }
0x8e: {  	[smem:$0x3FC0] =	sst s2  }
0x8f: {  	_ = 	snop  }
0x90: {  	s2 =	sld [smem:$0x3FC9]  }
0x91: {  	s19 =	sld [smem:$0x3FC8]  }
0x92: {  	s4 =	sld [smem:$0x3FC7]  }
0x93: {  	s5 =	sld [smem:$0x3FC6]  }
0x94: {  	s6 =	sld [smem:$0x3FC5]  }
0x95: {  	s7 =	sld [smem:$0x3FC4]  }
0x96: {  	s8 =	sld [smem:$0x3FC3]  }
0x97: {  	s9 =	sld [smem:$0x3FC2]  }
0x98: {  	s10 =	sld [smem:$0x3FD0];
	(tm) =	ssettm $0x1  }
0x99: {  	s11 =	sld [smem:$0x3FFB];
	_ =	sdelay $0x3  }
0x9a: {  	_ =	strace s11  }
0x9b: {  	s11 =	sld [smem:$0x3FFC];
	_ =	sdelay $0x3  }
0x9c: {  	_ =	strace s11  }
0x9d: {  	s11 =	sld [smem:$0x3FFD];
	_ =	sdelay $0x3  }
0x9e: {  	_ =	strace s11  }
0x9f: {  	_ =	strace $0x8FFFFFFF  }
0xa0: {  	s20 =	sld [smem:$0x3FDB];
	_ =	sdelay $0x1  }
0xa1: {  	s12 =	simm.s32 $_scs_section_size  }
0xa2: {  	s13 =	simm.s32 $_size__tile_overlayer_lowered;
	s14 =	simm.s32 $_tile_overlayer_lowered  }
0xa3: {  	s23 =	simm.s32 $0x1BFF;
	s22 =	sshll.u32 s14, $0x1;
	s11 =	sadd.s32 s12, s20  }
0xa4: {  	s15 =	simm.s32 $0x0;
	s21 =	sshll.u32 s13, $0x1;
	s13 =	sadd.s32 s22, s11  }
0xa5: {  	[timem:s15], [sflag:s23] =	dma.local [hbm:s13], s21  }
0xa6: {  	_ =	swait.ge [sflag:s23], s21  }
0xa7: {  	s12 =	ssub.s32 $0x0, s21;
	[sflag:s23] =	ssyncset.done $0x0  }
0xa8: {  	[sflag:s23] =	ssyncadd.s32 s12;
	_ =	sdelay $0x1  }
0xa9: {  	s24 =	simm.s32 $0x1B8B  }
0xaa: {  	_ =	swait.ge [sflag:s24], $0x1  }
0xab: {  	[sflag:s24] =	ssyncset.done $0x0  }
0xac: {  	s25 =	simm.s32 $0x1B8E;
	[sflag:s24] =	ssyncadd.s32 $0xFFFFFFFF  }
0xad: {  	s26 =	simm.s32 $execute0_lowered;
	[smem:$0x3FD2] =	sst s25  }
0xae: {  	s12 =	sshll.u32 s26, $0x1;
	_ =	strace $0x80000046;
	[dreg:$0x1] =	wrdreg $0xFFFFFFFF  }
0xaf: {  	s28 =	simm.s32 $_size_execute0_lowered;
	s11 =	sadd.s32 s11, s12;
	[dreg:$0x0] =	wrdreg $0x0  }
0xb0: {  	s12 =	sshll.u32 s28, $0x1;
	[dreg:$0x2] =	wrdreg s11  }
0xb1: {  	[dreg:$0x3] =	wrdreg s12  }
0xb2: {  	[dreg:$0x4] =	wrdreg $0xC0  }
0xb3: {  	_ =	task [dreg:s15], $0x5FFFF  }
0xb4: {  	[dreg:$0x1] =	wrdreg $0xFFFFFFFF  }
0xb5: {  	[dreg:$0x0] =	wrdreg $0x60  }
0xb6: {  	[dreg:$0x2] =	wrdreg s2  }
0xb7: {  	[dreg:$0x3] =	wrdreg s19  }
0xb8: {  	[dreg:$0x4] =	wrdreg s4  }
0xb9: {  	[dreg:$0x5] =	wrdreg s5  }
0xba: {  	[dreg:$0x6] =	wrdreg s6  }
0xbb: {  	[dreg:$0x7] =	wrdreg s7  }
0xbc: {  	[dreg:$0x8] =	wrdreg s8  }
0xbd: {  	[dreg:$0x9] =	wrdreg s9  }
0xbe: {  	[dreg:$0xa] =	wrdreg s10  }
0xbf: {  	[dreg:$0xb] =	wrdreg $0x187000  }
0xc0: {  	[dreg:$0xc] =	wrdreg $0x9  }
0xc1: {  	_ =	task.clear_ibuf [dreg:s15], $0xDFFFF;
	_ =	strace $0x90000046  }
0xc2: {  	s29 =	simm.s32 $0x9;
	_ =	strace $0x80000048  }
0xc3: {  	_ =	swait.ge [sflag:s29], $0x1  }
0xc4: {  	[sflag:s29] =	ssyncadd.s32 $0xFFFFFFFF  }
0xc5: {  	_ =	strace $0x90000048  }
0xc6: {  	_ =	sfence  }
0xc7: {  	s30 =	sld [smem:$0x0];
	_ =	sdelay $0x2  }
0xc8: {  	s31 =	sshll.u32 s1, $0xD;
	s1 =	sshrl.u32 s1, $0x2  }
0xc9: {  	s3 =	sand.u32 $0x4000, s31;
	s1 =	sadd.s32 s1, s30  }
0xca: {  	s0 =	sor.u32 s3, s0;
	s1 =	sshll.u32 s1, $0x11  }
0xcb: {  	s0 =	sor.u32 s1, s0  }
0xcc: {  	s0 =	sadd.s32 $0x8F2B, s0  }
0xcd: {  	[sflag:s0] =	ssyncadd.remote.s32 $0x1  }
0xce: {  	_ =	sfence.sel $0xFFFF  }
0xcf: {  	[dreg:$0x0] =	wrdreg $0xFFFFFFFF;
	(pc) =	sbr.abs _section_cstart, $3  }
0xd0: {  	[dreg:$0x1] =	wrdreg $0xFFFFFFFF  }
0xd1: {  	_ =	task.clear_ibuf [dreg:s15], $0x2FFFF;
	_ =	strace $0x9FFFFFFF  }
0xd2: {  	(tm) =	ssettm $0x7FFFFFFF  }
0xd3: {  	_ =	shalt  }
tec
execute0_lowered:
.L_overlay_start_1:
0x0: {  	(tag) =	ssettag $0x1  }
0x1: {  	s0 =	rddreg [dreg:$0x4]  }
0x2: {  	s1 =	rddreg [dreg:$0x5]  }
0x3: {  	s2 =	rddreg [dreg:$0x6]  }
0x4: {  	s3 =	rddreg [dreg:$0x7]  }
0x5: {  	s4 =	rddreg [dreg:$0x8]  }
0x6: {  	s5 =	rddreg [dreg:$0x9]  }
0x7: {  	s7 =	simm.s32 $0x0;
	s6 =	srdreg.scid;
	s25 =	stileid.u32  }
0x8: {  	s30 =	simm.s32 $0x4;
	s31 =	simm.s32 $0x80;
	s28 =	simm.s32 $0x1A700  }
0x9: {  	s29 =	simm.s32 $0x3;
	[smem:$0x7FF] =	sst s7;
	s6 =	sand.u32 $0x1, s6  }
0xa: {  	s9 =	sshrl.u32 s25, $0x2;
	s10 =	sshll.u32 s25, $0x8;
	s22 =	sadd.s32 $0x180, s5  }
0xb: {  	s23 =	sadd.s32 $0x100, s5;
	s24 =	sadd.s32 $0x80, s5;
	s20 =	sshll.u32 s25, $0xF  }
0xc: {  	p0 =	sgt.s32 s25, $0x1;
	p1 =	seq.s32 s25, $0x0;
	p2 =	seq.s32 s25, $0x1  }
0xd: {  	p3 =	seq.s32 s25, $0x2;
	p4 =	seq.s32 s25, $0x3;
	s8 =	ssub.s32 $0x2, s6  }
0xe: {  	s6 =	sshll.u32 s6, $0x7;
	s10 =	sand.u32 $0x300, s10;
	s11 =	smul.u32 $0xC3800, s9  }
0xf: {  	_ =	strace $0x80000047;
	s12 =	sshrl.u32 s8, $0x1;
	s6 =	sor.u32 s6, s10  }
0x10: {  	s21 =	sshll.u32 s9, $0x11;
	s8 =	ssub.s32 s8, s12;
	s10 =	sor.u32 s11, s6  }
0x11: {  	s11 =	sand.u32 $0x60000, s20;
	s26 =	sor.u32 s21, s6;
	s21 =	simm.s32 $0x1  }
0x12: {  	s16 =	sshrl.u32 s10, $0x3;
	s10 =	sadd.s32 $0x61C00, s10;
	s6 =	sor.u32 s11, s6  }
0x13: {  	s20 =	smax.u32 s8, $0x1;
	s8 =	sshrl.u32 s24, $0x3;
	s24 =	sshrl.u32 s23, $0x3  }
0x14: {  	s19 =	sadd.s32 s0, s16;
	s18 =	sshrl.u32 s10, $0x3;
	[dreg:$0xc] =	wrdreg s8  }
0x15: {  	s10 =	sadd.s32 s1, s16;
	s6 =	sshrl.u32 s6, $0x3;
	[dreg:$0xd] =	wrdreg s24  }
0x16: {  	s13 =	sadd.s32 s2, s16;
	s16 =	sadd.s32 s3, s16;
	[dreg:$0xb] =	wrdreg s19  }
0x17: {  	s9 =	sadd.s32 s0, s18;
	s0 =	sshrl.u32 s26, $0x3;
	s12 =	sadd.s32 s1, s18  }
0x18: {  	s6 =	sadd.s32 s6, s4;
	s15 =	sadd.s32 s2, s18;
	s18 =	sadd.s32 s3, s18  }
0x19: {  	s26 =	sshrl.u32 s22, $0x3;
	s1 =	simm.s32 $0x200;
	s2 =	simm.s32 $0x19700  }
0x1a: {  	s3 =	simm.s32 $0x2;
	s11 =	sadd.s32 s4, s0;
	s14 =	sadd.s32 $0x10000, s6  }
0x1b: {  	s17 =	sadd.s32 $0x20000, s6;
	s19 =	sadd.s32 $0x30000, s6;
	[dreg:$0xe] =	wrdreg s26  }
0x1c: {  	s4 =	simm.s32 $0x400;
	s0 =	simm.s32 $0xC380;
	s6 =	simm.s32 $0x0  }
.LBB2_1:
.Ltmp0:
0x1d: {  	(pc) =	sbr.rel @p0 .LBB2_5-.Ltmp0, $1  }
0x1e: {  	_ =	sdelay $0x3  }
.Ltmp1:
0x1f: {  	(pc) =	sbr.rel @p1 .LBB2_8-.Ltmp1, $1  }
0x20: {  	_ =	sdelay $0x3  }
.Ltmp2:
0x21: {  	(pc) =	sbr.rel @!p2 .LBB2_11-.Ltmp2, $1  }
0x22: {  	_ =	sdelay $0x3  }
.Ltmp3:
0x23: {  	(pc) =	sbr.rel .LBB2_10-.Ltmp3, $4  }
0x24: {  	_ = 	snop  }
0x25: {  	s8 =	rddreg [dreg:$0x1];
	s22 =	simm.s32 $0x40  }
0x26: {  	s23 =	rddreg [dreg:$0xc];
	s24 =	simm.s32 $0x10;
	s25 =	simm.s32 $0x1C44  }
0x27: {  	[spmem:s23@s22], [sflag:s25] =	dma.strided [hbm:s8@s24], $0x800, s21, $0x10   }
.LBB2_5:
.Ltmp4:
0x28: {  	(pc) =	sbr.rel @p3 .LBB2_9-.Ltmp4, $1  }
0x29: {  	_ =	sdelay $0x3  }
.Ltmp5:
0x2a: {  	(pc) =	sbr.rel @!p4 .LBB2_11-.Ltmp5, $1  }
0x2b: {  	_ =	sdelay $0x3  }
.Ltmp6:
0x2c: {  	(pc) =	sbr.rel .LBB2_10-.Ltmp6, $4  }
0x2d: {  	_ = 	snop  }
0x2e: {  	s8 =	rddreg [dreg:$0x3];
	s22 =	simm.s32 $0x40  }
0x2f: {  	s23 =	rddreg [dreg:$0xe];
	s24 =	simm.s32 $0x10;
	s25 =	simm.s32 $0x1CC4  }
0x30: {  	[spmem:s23@s22], [sflag:s25] =	dma.strided [hbm:s8@s24], $0x800, s21, $0x10   }
.LBB2_8:
.Ltmp7:
0x31: {  	(pc) =	sbr.rel .LBB2_10-.Ltmp7, $4  }
0x32: {  	_ = 	snop  }
0x33: {  	s8 =	sshrl.u32 s5, $0x3;
	s22 =	rddreg [dreg:$0x0]  }
0x34: {  	s23 =	simm.s32 $0x40;
	s24 =	simm.s32 $0x10;
	s25 =	simm.s32 $0x1C04  }
0x35: {  	[spmem:s8@s23], [sflag:s25] =	dma.strided [hbm:s22@s24], $0x800, s21, $0x10   }
.LBB2_9:
0x36: {  	s8 =	rddreg [dreg:$0x2];
	s22 =	simm.s32 $0x40  }
0x37: {  	s23 =	rddreg [dreg:$0xd];
	s24 =	simm.s32 $0x10;
	s25 =	simm.s32 $0x1C84  }
0x38: {  	[spmem:s23@s22], [sflag:s25] =	dma.strided [hbm:s8@s24], $0x800, s21, $0x10   }
.LBB2_10:
0x39: {  	_ =	swait.ge [sflag:s30], $0x800  }
0x3a: {  	[sflag:s30] =	ssyncset.done $0x0  }
0x3b: {  	[sflag:s30] =	ssyncadd.s32 $0xFFFFF800  }
.LBB2_11:
0x3c: {  	s23 =	simm.s32 $0x0;
	s8 =	rddreg [dreg:$0xb]  }
0x3d: {  	[tilespmem:s23], [sflag:$0x1] =	stream.strided.gather [hbm4b:s8+s31], $0xC380, s4, s31, $0x38;
	[tilespmem:$0x1E700] =	vst v63  }
0x3e: {  	[bflag:$0x0] =	sbarrier.arrive $0xFFFF  }
0x3f: {  	[tilespmem:s0], [sflag:$0x2] =	stream.strided.gather [hbm4b:s9+s31], $0xC380, s4, s31, $0x38;
	[tilespmem:$0x1E700] =	vst v63  }
0x40: {  	_ =	swait.ge [sflag:s21], $0xC380  }
0x41: {  	[sflag:s21] =	ssyncset.done $0x0  }
0x42: {  	s24 =	simm.s32 $0x1A740;
	[sflag:s21] =	ssyncadd.s32 $0xFFFF3C80  }
.LBB2_12:
0x43: {  	s8 =	sshll.u32 s23, $0xE  }
0x44: {  	s8 =	sand.u32 $0x3FFFC000, s8  }
0x45: {  	s8 =	sadd.s32 s8, s5  }
0x46: {  	[tilespmem:s2], [sflag:$0x4] =	stream.strided.gather [spmem:s8], $0x1000, s1, s31, $0x38;
	[tilespmem:$0x1E700] =	vst v63  }
0x47: {  	_ =	swait.ge [sflag:s30], $0x1000  }
0x48: {  	[sflag:s30] =	ssyncset.done $0x0  }
0x49: {  	s25 =	simm.s32 $0x19740;
	[sflag:s30] =	ssyncadd.s32 $0xFFFFF000  }
0x4a: {  	v0 =	vld [tilespmem:s25+$0x30]  }
0x4b: {  	v1 =	vld [tilespmem:s25+$0xFFFFFFD0]  }
0x4c: {  	v2 =	vld [tilespmem:s25+$0xFFFFFFE0]  }
0x4d: {  	v3 =	vld [tilespmem:s25+$0xFFFFFFF0]  }
0x4e: {  	v4 =	vld [tilespmem:s25+$0x0]  }
0x4f: {  	v5 =	vld [tilespmem:s25+$0x10]  }
0x50: {  	v6 =	vld [tilespmem:s25+$0x20]  }
0x51: {  	s26 =	simm.s32 $0x197C0;
	v7 =	vld [tilespmem:s25+$0xFFFFFFC0];
	vm1 =	vlt.s32 v0, $0xC380  }
0x52: {  	v11 =	vld [tilespmem:s26+$0x30];
	vm10 =	vlt.s32 v1, $0xC380  }
0x53: {  	v12 =	vld [tilespmem:s26+$0xFFFFFFD0];
	vm8 =	vlt.s32 v2, $0xC380  }
0x54: {  	v13 =	vld [tilespmem:s26+$0xFFFFFFE0];
	vm7 =	vlt.s32 v3, $0xC380  }
0x55: {  	v14 =	vld [tilespmem:s26+$0xFFFFFFF0];
	vm5 =	vlt.s32 v4, $0xC380  }
0x56: {  	v15 =	vld [tilespmem:s26+$0x0]  }
0x57: {  	v8 =	vld.idx.msk [tilespmem:v0+s7+$0x0], vm1  }
0x58: {  	vm0 =	vlt.s32 v7, $0xC380;
	v9 =	vld.idx.msk [tilespmem:v1+s7+$0x0], vm10  }
0x59: {  	vm2 =	vlt.s32 v5, $0xC380;
	vm11 =	vmmov vm0;
	v10 =	vld.idx.msk [tilespmem:v2+s7+$0x0], vm8  }
0x5a: {  	vm9 =	vmmov vm2;
	v3 =	vld.idx.msk [tilespmem:v3+s7+$0x0], vm7  }
0x5b: {  	vm6 =	vlt.s32 v11, $0xC380;
	vm0 =	vlt.s32 v6, $0xC380;
	v4 =	vld.idx.msk [tilespmem:v4+s7+$0x0], vm5  }
0x5c: {  	vm0 =	vmmov vm0;
	v0 =	vld [tilespmem:s26+$0x10]  }
0x5d: {  	vm4 =	vlt.s32 v12, $0xC380;
	v1 =	vld [tilespmem:s26+$0x20]  }
0x5e: {  	vm3 =	vlt.s32 v13, $0xC380;
	v2 =	vld [tilespmem:s26+$0xFFFFFFC0]  }
0x5f: {  	vm2 =	vlt.s32 v14, $0xC380;
	v16 =	vld.idx.msk [tilespmem:v7+s7+$0x0], vm11  }
0x60: {  	v17 =	vld.idx.msk [tilespmem:v5+s7+$0x0], vm9;
	v7 =	vnsel vm1, $0x0, v8;
	vm1 =	vlt.s32 v15, $0xC380  }
0x61: {  	v5 =	vnsel vm10, $0x0, v9;
	v8 =	vld.idx.msk [tilespmem:v11+s7+$0x0], vm6;
	[tilespmem:s24+$0x30] =	vst v7  }
0x62: {  	v3 =	vnsel vm7, $0x0, v3;
	v7 =	vld.idx.msk [tilespmem:v6+s7+$0x0], vm0;
	[tilespmem:s24+$0xFFFFFFD0] =	vst v5  }
0x63: {  	v5 =	vnsel vm8, $0x0, v10;
	v6 =	vld.idx.msk [tilespmem:v12+s7+$0x0], vm4;
	[tilespmem:s24+$0xFFFFFFF0] =	vst v3  }
0x64: {  	vm7 =	vlt.s32 v0, $0xC380;
	v3 =	vnsel vm5, $0x0, v4;
	v4 =	vld.idx.msk [tilespmem:v13+s7+$0x0], vm3;
	[tilespmem:s24+$0xFFFFFFE0] =	vst v5  }
0x65: {  	vm8 =	vlt.s32 v1, $0xC380;
	vm5 =	vlt.s32 v2, $0xC380;
	v9 =	vnsel vm11, $0x0, v16;
	[tilespmem:s24+$0x0] =	vst v3;
	v3 =	vld.idx.msk [tilespmem:v14+s7+$0x0], vm2  }
0x66: {  	s22 =	smov.u32 s24;
	s8 =	simm.s32 $0x8;
	s25 =	simm.s32 $0x19840;
	vm7 =	vmmov vm7;
	vm5 =	vmmov vm5;
	[tilespmem:s24+$0xFFFFFFC0] =	vst v9;
	v9 =	vnsel vm9, $0x0, v17;
	v5 =	vld.idx.msk [tilespmem:v15+s7+$0x0], vm1  }
.LBB2_13:
0x67: {  	v10 =	vld [tilespmem:s25+$0x30];
	s8 =	sadd.s32 $0x8, s8;
	[tilespmem:s22+$0x10] =	vst v9;
	v7 =	vnsel vm0, $0x0, v7;
	vm0 =	vmmov vm8  }
0x68: {  	v8 =	vnsel vm6, $0x0, v8;
	v9 =	vld [tilespmem:s25+$0xFFFFFFD0];
	p5 =	slt.u32 s8, $0xF8;
	[tilespmem:s22+$0x20] =	vst v7;
	s22 =	sadd.s32 $0x80, s22  }
0x69: {  	v6 =	vnsel vm4, $0x0, v6;
	v11 =	vld [tilespmem:s25+$0xFFFFFFE0];
	[tilespmem:s22+$0x30] =	vst v8  }
0x6a: {  	v4 =	vnsel vm3, $0x0, v4;
	v12 =	vld [tilespmem:s25+$0xFFFFFFF0];
	[tilespmem:s22+$0xFFFFFFD0] =	vst v6  }
0x6b: {  	v3 =	vnsel vm2, $0x0, v3;
	v13 =	vld [tilespmem:s25+$0x0];
	[tilespmem:s22+$0xFFFFFFE0] =	vst v4  }
0x6c: {  	v4 =	vld [tilespmem:s25+$0x10];
	vm6 =	vlt.s32 v10, $0xC380;
	[tilespmem:s22+$0xFFFFFFF0] =	vst v3;
	v3 =	vnsel vm1, $0x0, v5  }
0x6d: {  	vm4 =	vlt.s32 v9, $0xC380;
	v5 =	vld [tilespmem:s25+$0x20];
	[tilespmem:s22+$0x0] =	vst v3  }
0x6e: {  	v3 =	vld [tilespmem:s25+$0xFFFFFFC0];
	vm3 =	vlt.s32 v11, $0xC380  }
0x6f: {  	vm2 =	vlt.s32 v12, $0xC380;
	v14 =	vld.idx.msk [tilespmem:v2+s7+$0x0], vm5  }
0x70: {  	vm1 =	vlt.s32 v13, $0xC380;
	v15 =	vld.idx.msk [tilespmem:v0+s7+$0x0], vm7  }
0x71: {  	vm9 =	vlt.s32 v4, $0xC380;
	v7 =	vld.idx.msk [tilespmem:v1+s7+$0x0], vm8;
	v0 =	vmov v4  }
.Ltmp8:
0x72: {  	vm8 =	vlt.s32 v5, $0xC380;
	v8 =	vld.idx.msk [tilespmem:v10+s7+$0x0], vm6;
	v1 =	vmov v5;
	(pc) =	sbr.rel @p5 .LBB2_13-.Ltmp8, $4  }
0x73: {  	vm10 =	vlt.s32 v3, $0xC380;
	v6 =	vld.idx.msk [tilespmem:v9+s7+$0x0], vm4;
	v2 =	vmov v3  }
0x74: {  	v4 =	vld.idx.msk [tilespmem:v11+s7+$0x0], vm3  }
0x75: {  	v9 =	vnsel vm5, $0x0, v14;
	vm5 =	vmmov vm10;
	v3 =	vld.idx.msk [tilespmem:v12+s7+$0x0], vm2  }
0x76: {  	s25 =	sadd.s32 $0x80, s25;
	v5 =	vld.idx.msk [tilespmem:v13+s7+$0x0], vm1;
	[tilespmem:s22+$0xFFFFFFC0] =	vst v9;
	v9 =	vnsel vm7, $0x0, v15;
	vm7 =	vmmov vm9  }
0x77: {  	_ = 	snop  }
0x78: {  	vm8 =	vmmov vm8;
	_ =	sdelay $0x2  }
0x79: {  	[tilespmem:s22+$0x10] =	vst v9;
	v7 =	vnsel vm0, $0x0, v7  }
0x7a: {  	v8 =	vnsel vm6, $0x0, v8;
	s8 =	sadd.s32 $0x80, s22;
	v2 =	vld.idx.msk [tilespmem:v2+s7+$0x0], vm5;
	[tilespmem:s22+$0x20] =	vst v7  }
0x7b: {  	v0 =	vld.idx.msk [tilespmem:v0+s7+$0x0], vm7;
	v6 =	vnsel vm4, $0x0, v6;
	[tilespmem:s8+$0x30] =	vst v8  }
0x7c: {  	s23 =	sadd.s32 $0x1, s23;
	[tilespmem:s8+$0xFFFFFFD0] =	vst v6;
	v4 =	vnsel vm3, $0x0, v4;
	v1 =	vld.idx.msk [tilespmem:v1+s7+$0x0], vm8  }
0x7d: {  	p5 =	sne.s32 s23, $0x4;
	[tilespmem:s8+$0xFFFFFFE0] =	vst v4;
	v3 =	vnsel vm2, $0x0, v3  }
.Ltmp9:
0x7e: {  	[tilespmem:s8+$0xFFFFFFF0] =	vst v3;
	v62 =	vnsel vm1, $0x0, v5;
	(pc) =	sbr.rel @p5 .LBB2_12-.Ltmp9, $4  }
0x7f: {  	[tilespmem:s8+$0x0] =	vst v62;
	v2 =	vnsel vm5, $0x0, v2  }
0x80: {  	v0 =	vnsel vm7, $0x0, v0;
	[tilespmem:s8+$0xFFFFFFC0] =	vst v2  }
0x81: {  	[tilespmem:s8+$0x10] =	vst v0;
	v63 =	vnsel vm8, $0x0, v1  }
0x82: {  	s24 =	sadd.s32 $0x1000, s24;
	[tilespmem:s8+$0x20] =	vst v63  }
0x83: {  	_ =	swait.ge [sflag:s3], $0xC380  }
0x84: {  	[sflag:s3] =	ssyncset.done $0x0  }
0x85: {  	s23 =	simm.s32 $0x0;
	s22 =	simm.s32 $0x1A740;
	[sflag:s3] =	ssyncadd.s32 $0xFFFF3C80  }
0x86: {  	[tilespmem:s23], [sflag:$0x1] =	stream.strided.gather [hbm4b:s10+s31], $0xC380, s4, s31, $0x38;
	[tilespmem:$0x1E700] =	vst v63  }
.LBB2_16:
0x87: {  	s8 =	sshll.u32 s23, $0xE  }
0x88: {  	s8 =	sand.u32 $0x3FFFC000, s8  }
0x89: {  	s8 =	sadd.s32 s8, s5  }
0x8a: {  	[tilespmem:s2], [sflag:$0x4] =	stream.strided.gather [spmem:s8], $0x1000, s1, s31, $0x38;
	[tilespmem:$0x1E700] =	vst v63  }
0x8b: {  	_ =	swait.ge [sflag:s30], $0x1000  }
0x8c: {  	[sflag:s30] =	ssyncset.done $0x0  }
0x8d: {  	s26 =	simm.s32 $0x19740;
	[sflag:s30] =	ssyncadd.s32 $0xFFFFF000  }
0x8e: {  	v0 =	vld [tilespmem:s26+$0x30]  }
0x8f: {  	v1 =	vld [tilespmem:s26+$0xFFFFFFD0]  }
0x90: {  	v2 =	vld [tilespmem:s26+$0xFFFFFFE0]  }
0x91: {  	v3 =	vld [tilespmem:s26+$0xFFFFFFF0]  }
0x92: {  	v4 =	vld [tilespmem:s26+$0x0]  }
0x93: {  	v6 =	vld [tilespmem:s26+$0xFFFFFFC0];
	vm3 =	vgt.s32 v0, $0xC37F  }
0x94: {  	v0 =	vadd.s32 $0xFFFF3C80, v0;
	vm0 =	vgt.s32 v1, $0xC37F  }
0x95: {  	v5 =	vld [tilespmem:s26+$0x10];
	v1 =	vadd.s32 $0xFFFF3C80, v1;
	vm2 =	vgt.s32 v2, $0xC37F  }
0x96: {  	v7 =	vld [tilespmem:s26+$0x20];
	v2 =	vadd.s32 $0xFFFF3C80, v2;
	vm1 =	vgt.s32 v3, $0xC37F  }
0x97: {  	v12 =	vld [tilespmem:s22+$0x30];
	v8 =	vadd.s32 $0xFFFF3C80, v3;
	vm4 =	vgt.s32 v4, $0xC37F  }
0x98: {  	v10 =	vld [tilespmem:s22+$0xFFFFFFC0];
	v9 =	vadd.s32 $0xFFFF3C80, v4;
	vm6 =	vgt.s32 v6, $0xC37F  }
0x99: {  	v6 =	vadd.s32 $0xFFFF3C80, v6;
	v11 =	vld.idx.msk [tilespmem:v0+s0+$0x0], vm3  }
0x9a: {  	vm7 =	vgt.s32 v5, $0xC37F;
	v0 =	vadd.s32 $0xFFFF3C80, v5;
	v5 =	vld.idx.msk [tilespmem:v1+s0+$0x0], vm0  }
0x9b: {  	v3 =	vld.idx.msk [tilespmem:v2+s0+$0x0], vm2  }
0x9c: {  	vm8 =	vgt.s32 v7, $0xC37F;
	v4 =	vld.idx.msk [tilespmem:v8+s0+$0x0], vm1  }
0x9d: {  	v1 =	vadd.s32 $0xFFFF3C80, v7;
	v2 =	vld.idx.msk [tilespmem:v9+s0+$0x0], vm4  }
0x9e: {  	v6 =	vld.idx.msk [tilespmem:v6+s0+$0x0], vm6  }
0x9f: {  	v9 =	vld [tilespmem:s22+$0xFFFFFFD0]  }
0xa0: {  	v7 =	vld [tilespmem:s22+$0xFFFFFFE0]  }
0xa1: {  	v0 =	vld.idx.msk [tilespmem:v0+s0+$0x0], vm7  }
0xa2: {  	s25 =	smov.u32 s22;
	v1 =	vld.idx.msk [tilespmem:v1+s0+$0x0], vm8;
	v8 =	vsel vm3, v11, v12  }
0xa3: {  	s24 =	smov.u32 s22;
	s8 =	simm.s32 $0x197C0;
	s26 =	simm.s32 $0x0;
	vm5 =	vmmov vm4;
	vm4 =	vmmov vm7;
	vm3 =	vmmov vm8;
	[tilespmem:s22+$0x30] =	vst v8;
	v8 =	vld [tilespmem:s22+$0xFFFFFFF0]  }
.LBB2_17:
0xa4: {  	v11 =	vld [tilespmem:s8+$0x30];
	s26 =	sadd.s32 $0x8, s26  }
0xa5: {  	v12 =	vld [tilespmem:s8+$0xFFFFFFD0];
	p5 =	slt.u32 s26, $0xF8;
	v6 =	vsel vm6, v6, v10  }
0xa6: {  	v10 =	vld [tilespmem:s8+$0xFFFFFFE0];
	[tilespmem:s25+$0xFFFFFFC0] =	vst v6;
	v5 =	vsel vm0, v5, v9  }
0xa7: {  	v6 =	vld [tilespmem:s8+$0xFFFFFFF0];
	[tilespmem:s25+$0xFFFFFFD0] =	vst v5;
	v3 =	vsel vm2, v3, v7  }
0xa8: {  	v5 =	vld [tilespmem:s8+$0x0];
	[tilespmem:s25+$0xFFFFFFE0] =	vst v3;
	v3 =	vsel vm1, v4, v8  }
0xa9: {  	v4 =	vld [tilespmem:s8+$0x10];
	vm7 =	vgt.s32 v11, $0xC37F;
	[tilespmem:s25+$0xFFFFFFF0] =	vst v3  }
0xaa: {  	v8 =	vadd.s32 $0xFFFF3C80, v11;
	vm0 =	vgt.s32 v12, $0xC37F;
	v3 =	vadd.s32 $0xFFFF3C80, v12;
	v7 =	vld [tilespmem:s8+$0x20]  }
0xab: {  	v9 =	vld [tilespmem:s8+$0xFFFFFFC0];
	vm2 =	vgt.s32 v10, $0xC37F;
	v10 =	vadd.s32 $0xFFFF3C80, v10  }
0xac: {  	vm1 =	vgt.s32 v6, $0xC37F;
	v6 =	vadd.s32 $0xFFFF3C80, v6;
	v11 =	vld [tilespmem:s25+$0x0]  }
0xad: {  	vm9 =	vgt.s32 v5, $0xC37F;
	v12 =	vadd.s32 $0xFFFF3C80, v5;
	v13 =	vld [tilespmem:s25+$0x10]  }
0xae: {  	vm10 =	vgt.s32 v4, $0xC37F;
	v14 =	vadd.s32 $0xFFFF3C80, v4;
	v15 =	vld [tilespmem:s25+$0x20]  }
0xaf: {  	s25 =	sadd.s32 $0x80, s25;
	vm8 =	vgt.s32 v7, $0xC37F;
	v7 =	vadd.s32 $0xFFFF3C80, v7;
	v8 =	vld.idx.msk [tilespmem:v8+s0+$0x0], vm7  }
0xb0: {  	vm6 =	vgt.s32 v9, $0xC37F;
	v9 =	vadd.s32 $0xFFFF3C80, v9;
	v16 =	vld [tilespmem:s25+$0x30]  }
0xb1: {  	v5 =	vld.idx.msk [tilespmem:v3+s0+$0x0], vm0;
	v2 =	vsel vm5, v2, v11;
	vm5 =	vmmov vm9  }
0xb2: {  	v3 =	vld.idx.msk [tilespmem:v10+s0+$0x0], vm2;
	[tilespmem:s24+$0x0] =	vst v2;
	v0 =	vsel vm4, v0, v13;
	vm4 =	vmmov vm10  }
0xb3: {  	v4 =	vld.idx.msk [tilespmem:v6+s0+$0x0], vm1;
	[tilespmem:s24+$0x10] =	vst v0;
	v0 =	vsel vm3, v1, v15;
	vm3 =	vmmov vm8  }
0xb4: {  	v2 =	vld.idx.msk [tilespmem:v12+s0+$0x0], vm9;
	[tilespmem:s24+$0x20] =	vst v0;
	s24 =	smov.u32 s25  }
0xb5: {  	v0 =	vld.idx.msk [tilespmem:v14+s0+$0x0], vm10;
	v1 =	vsel vm7, v8, v16  }
0xb6: {  	v6 =	vld.idx.msk [tilespmem:v9+s0+$0x0], vm6;
	[tilespmem:s25+$0x30] =	vst v1  }
.Ltmp10:
0xb7: {  	v1 =	vld.idx.msk [tilespmem:v7+s0+$0x0], vm8;
	(pc) =	sbr.rel @p5 .LBB2_17-.Ltmp10, $4  }
0xb8: {  	v10 =	vld [tilespmem:s25+$0xFFFFFFC0]  }
0xb9: {  	v9 =	vld [tilespmem:s25+$0xFFFFFFD0]  }
0xba: {  	v7 =	vld [tilespmem:s25+$0xFFFFFFE0]  }
0xbb: {  	s8 =	sadd.s32 $0x80, s8;
	v8 =	vld [tilespmem:s25+$0xFFFFFFF0]  }
0xbc: {  	v11 =	vld [tilespmem:s25+$0x0]  }
0xbd: {  	v60 =	vld [tilespmem:s25+$0x10];
	v6 =	vsel vm6, v6, v10  }
0xbe: {  	v61 =	vld [tilespmem:s25+$0x20];
	s23 =	sadd.s32 $0x1, s23;
	[tilespmem:s25+$0xFFFFFFC0] =	vst v6;
	v5 =	vsel vm0, v5, v9  }
0xbf: {  	p5 =	sne.s32 s23, $0x4;
	[tilespmem:s25+$0xFFFFFFD0] =	vst v5;
	v3 =	vsel vm2, v3, v7  }
.Ltmp11:
0xc0: {  	[tilespmem:s25+$0xFFFFFFE0] =	vst v3;
	v62 =	vsel vm1, v4, v8;
	(pc) =	sbr.rel @p5 .LBB2_16-.Ltmp11, $4  }
0xc1: {  	[tilespmem:s25+$0xFFFFFFF0] =	vst v62;
	v2 =	vsel vm5, v2, v11  }
0xc2: {  	v0 =	vsel vm4, v0, v60;
	[tilespmem:s24+$0x0] =	vst v2  }
0xc3: {  	v63 =	vsel vm3, v1, v61;
	[tilespmem:s24+$0x10] =	vst v0  }
0xc4: {  	s22 =	sadd.s32 $0x1000, s22;
	[tilespmem:s24+$0x20] =	vst v63  }
0xc5: {  	[hbm4b:s11+s31] =	stream.strided.scatter [tilespmem:s28], [sflag:$0x3], $0x4000, s4, s31, $0x38;
	[tilespmem:$0x1E700] =	vst v63  }
0xc6: {  	_ = 	snop  }
0xc7: {  	[tilespmem:s0], [sflag:$0x2] =	stream.strided.gather [hbm4b:s12+s31], $0xC380, s4, s31, $0x38;
	[tilespmem:$0x1E700] =	vst v63  }
0xc8: {  	_ =	swait.ge [sflag:s21], $0xC380  }
0xc9: {  	[sflag:s21] =	ssyncset.done $0x0  }
0xca: {  	[sflag:s21] =	ssyncadd.s32 $0xFFFF3C80  }
0xcb: {  	_ =	swait.ge [sflag:s29], $0x4000  }
0xcc: {  	[sflag:s29] =	ssyncset.done $0x0  }
0xcd: {  	s23 =	simm.s32 $0x0;
	s24 =	simm.s32 $0x1A740;
	[sflag:s29] =	ssyncadd.s32 $0xFFFFC000  }
.LBB2_20:
0xce: {  	s8 =	sshll.u32 s23, $0xE  }
0xcf: {  	s8 =	sand.u32 $0x3FFFC000, s8  }
0xd0: {  	s8 =	sadd.s32 s8, s5  }
0xd1: {  	s8 =	sadd.s32 $0x80, s8  }
0xd2: {  	[tilespmem:s2], [sflag:$0x4] =	stream.strided.gather [spmem:s8], $0x1000, s1, s31, $0x38;
	[tilespmem:$0x1E700] =	vst v63  }
0xd3: {  	_ =	swait.ge [sflag:s30], $0x1000  }
0xd4: {  	[sflag:s30] =	ssyncset.done $0x0  }
0xd5: {  	s25 =	simm.s32 $0x19740;
	[sflag:s30] =	ssyncadd.s32 $0xFFFFF000  }
0xd6: {  	v0 =	vld [tilespmem:s25+$0x30]  }
0xd7: {  	v1 =	vld [tilespmem:s25+$0xFFFFFFD0]  }
0xd8: {  	v2 =	vld [tilespmem:s25+$0xFFFFFFE0]  }
0xd9: {  	v3 =	vld [tilespmem:s25+$0xFFFFFFF0]  }
0xda: {  	v4 =	vld [tilespmem:s25+$0x0]  }
0xdb: {  	v5 =	vld [tilespmem:s25+$0x10]  }
0xdc: {  	v6 =	vld [tilespmem:s25+$0x20]  }
0xdd: {  	s26 =	simm.s32 $0x197C0;
	v7 =	vld [tilespmem:s25+$0xFFFFFFC0];
	vm1 =	vlt.s32 v0, $0xC380  }
0xde: {  	v11 =	vld [tilespmem:s26+$0x30];
	vm10 =	vlt.s32 v1, $0xC380  }
0xdf: {  	v12 =	vld [tilespmem:s26+$0xFFFFFFD0];
	vm8 =	vlt.s32 v2, $0xC380  }
0xe0: {  	v13 =	vld [tilespmem:s26+$0xFFFFFFE0];
	vm7 =	vlt.s32 v3, $0xC380  }
0xe1: {  	v14 =	vld [tilespmem:s26+$0xFFFFFFF0];
	vm5 =	vlt.s32 v4, $0xC380  }
0xe2: {  	v15 =	vld [tilespmem:s26+$0x0]  }
0xe3: {  	v8 =	vld.idx.msk [tilespmem:v0+s7+$0x0], vm1  }
0xe4: {  	vm0 =	vlt.s32 v7, $0xC380;
	v9 =	vld.idx.msk [tilespmem:v1+s7+$0x0], vm10  }
0xe5: {  	vm2 =	vlt.s32 v5, $0xC380;
	vm11 =	vmmov vm0;
	v10 =	vld.idx.msk [tilespmem:v2+s7+$0x0], vm8  }
0xe6: {  	vm9 =	vmmov vm2;
	v3 =	vld.idx.msk [tilespmem:v3+s7+$0x0], vm7  }
0xe7: {  	vm6 =	vlt.s32 v11, $0xC380;
	vm0 =	vlt.s32 v6, $0xC380;
	v4 =	vld.idx.msk [tilespmem:v4+s7+$0x0], vm5  }
0xe8: {  	vm0 =	vmmov vm0;
	v0 =	vld [tilespmem:s26+$0x10]  }
0xe9: {  	vm4 =	vlt.s32 v12, $0xC380;
	v1 =	vld [tilespmem:s26+$0x20]  }
0xea: {  	vm3 =	vlt.s32 v13, $0xC380;
	v2 =	vld [tilespmem:s26+$0xFFFFFFC0]  }
0xeb: {  	vm2 =	vlt.s32 v14, $0xC380;
	v16 =	vld.idx.msk [tilespmem:v7+s7+$0x0], vm11  }
0xec: {  	v17 =	vld.idx.msk [tilespmem:v5+s7+$0x0], vm9;
	v7 =	vnsel vm1, $0x0, v8;
	vm1 =	vlt.s32 v15, $0xC380  }
0xed: {  	v5 =	vnsel vm10, $0x0, v9;
	v8 =	vld.idx.msk [tilespmem:v11+s7+$0x0], vm6;
	[tilespmem:s24+$0x30] =	vst v7  }
0xee: {  	v3 =	vnsel vm7, $0x0, v3;
	v7 =	vld.idx.msk [tilespmem:v6+s7+$0x0], vm0;
	[tilespmem:s24+$0xFFFFFFD0] =	vst v5  }
0xef: {  	v5 =	vnsel vm8, $0x0, v10;
	v6 =	vld.idx.msk [tilespmem:v12+s7+$0x0], vm4;
	[tilespmem:s24+$0xFFFFFFF0] =	vst v3  }
0xf0: {  	vm7 =	vlt.s32 v0, $0xC380;
	v3 =	vnsel vm5, $0x0, v4;
	v4 =	vld.idx.msk [tilespmem:v13+s7+$0x0], vm3;
	[tilespmem:s24+$0xFFFFFFE0] =	vst v5  }
0xf1: {  	vm8 =	vlt.s32 v1, $0xC380;
	vm5 =	vlt.s32 v2, $0xC380;
	v9 =	vnsel vm11, $0x0, v16;
	[tilespmem:s24+$0x0] =	vst v3;
	v3 =	vld.idx.msk [tilespmem:v14+s7+$0x0], vm2  }
0xf2: {  	s22 =	smov.u32 s24;
	s8 =	simm.s32 $0x8;
	s25 =	simm.s32 $0x19840;
	vm7 =	vmmov vm7;
	vm5 =	vmmov vm5;
	[tilespmem:s24+$0xFFFFFFC0] =	vst v9;
	v9 =	vnsel vm9, $0x0, v17;
	v5 =	vld.idx.msk [tilespmem:v15+s7+$0x0], vm1  }
.LBB2_21:
0xf3: {  	v10 =	vld [tilespmem:s25+$0x30];
	s8 =	sadd.s32 $0x8, s8;
	[tilespmem:s22+$0x10] =	vst v9;
	v7 =	vnsel vm0, $0x0, v7;
	vm0 =	vmmov vm8  }
0xf4: {  	v8 =	vnsel vm6, $0x0, v8;
	v9 =	vld [tilespmem:s25+$0xFFFFFFD0];
	p5 =	slt.u32 s8, $0xF8;
	[tilespmem:s22+$0x20] =	vst v7;
	s22 =	sadd.s32 $0x80, s22  }
0xf5: {  	v6 =	vnsel vm4, $0x0, v6;
	v11 =	vld [tilespmem:s25+$0xFFFFFFE0];
	[tilespmem:s22+$0x30] =	vst v8  }
0xf6: {  	v4 =	vnsel vm3, $0x0, v4;
	v12 =	vld [tilespmem:s25+$0xFFFFFFF0];
	[tilespmem:s22+$0xFFFFFFD0] =	vst v6  }
0xf7: {  	v3 =	vnsel vm2, $0x0, v3;
	v13 =	vld [tilespmem:s25+$0x0];
	[tilespmem:s22+$0xFFFFFFE0] =	vst v4  }
0xf8: {  	v4 =	vld [tilespmem:s25+$0x10];
	vm6 =	vlt.s32 v10, $0xC380;
	[tilespmem:s22+$0xFFFFFFF0] =	vst v3;
	v3 =	vnsel vm1, $0x0, v5  }
0xf9: {  	vm4 =	vlt.s32 v9, $0xC380;
	v5 =	vld [tilespmem:s25+$0x20];
	[tilespmem:s22+$0x0] =	vst v3  }
0xfa: {  	v3 =	vld [tilespmem:s25+$0xFFFFFFC0];
	vm3 =	vlt.s32 v11, $0xC380  }
0xfb: {  	vm2 =	vlt.s32 v12, $0xC380;
	v14 =	vld.idx.msk [tilespmem:v2+s7+$0x0], vm5  }
0xfc: {  	vm1 =	vlt.s32 v13, $0xC380;
	v15 =	vld.idx.msk [tilespmem:v0+s7+$0x0], vm7  }
0xfd: {  	vm9 =	vlt.s32 v4, $0xC380;
	v7 =	vld.idx.msk [tilespmem:v1+s7+$0x0], vm8;
	v0 =	vmov v4  }
.Ltmp12:
0xfe: {  	vm8 =	vlt.s32 v5, $0xC380;
	v8 =	vld.idx.msk [tilespmem:v10+s7+$0x0], vm6;
	v1 =	vmov v5;
	(pc) =	sbr.rel @p5 .LBB2_21-.Ltmp12, $4  }
0xff: {  	vm10 =	vlt.s32 v3, $0xC380;
	v6 =	vld.idx.msk [tilespmem:v9+s7+$0x0], vm4;
	v2 =	vmov v3  }
0x100: {  	v4 =	vld.idx.msk [tilespmem:v11+s7+$0x0], vm3  }
0x101: {  	v9 =	vnsel vm5, $0x0, v14;
	vm5 =	vmmov vm10;
	v3 =	vld.idx.msk [tilespmem:v12+s7+$0x0], vm2  }
0x102: {  	s25 =	sadd.s32 $0x80, s25;
	v5 =	vld.idx.msk [tilespmem:v13+s7+$0x0], vm1;
	[tilespmem:s22+$0xFFFFFFC0] =	vst v9;
	v9 =	vnsel vm7, $0x0, v15;
	vm7 =	vmmov vm9  }
0x103: {  	_ = 	snop  }
0x104: {  	vm8 =	vmmov vm8;
	_ =	sdelay $0x2  }
0x105: {  	[tilespmem:s22+$0x10] =	vst v9;
	v7 =	vnsel vm0, $0x0, v7  }
0x106: {  	v8 =	vnsel vm6, $0x0, v8;
	s8 =	sadd.s32 $0x80, s22;
	v2 =	vld.idx.msk [tilespmem:v2+s7+$0x0], vm5;
	[tilespmem:s22+$0x20] =	vst v7  }
0x107: {  	v0 =	vld.idx.msk [tilespmem:v0+s7+$0x0], vm7;
	v6 =	vnsel vm4, $0x0, v6;
	[tilespmem:s8+$0x30] =	vst v8  }
0x108: {  	s23 =	sadd.s32 $0x1, s23;
	[tilespmem:s8+$0xFFFFFFD0] =	vst v6;
	v4 =	vnsel vm3, $0x0, v4;
	v1 =	vld.idx.msk [tilespmem:v1+s7+$0x0], vm8  }
0x109: {  	p5 =	sne.s32 s23, $0x4;
	[tilespmem:s8+$0xFFFFFFE0] =	vst v4;
	v3 =	vnsel vm2, $0x0, v3  }
.Ltmp13:
0x10a: {  	[tilespmem:s8+$0xFFFFFFF0] =	vst v3;
	v62 =	vnsel vm1, $0x0, v5;
	(pc) =	sbr.rel @p5 .LBB2_20-.Ltmp13, $4  }
0x10b: {  	[tilespmem:s8+$0x0] =	vst v62;
	v2 =	vnsel vm5, $0x0, v2  }
0x10c: {  	v0 =	vnsel vm7, $0x0, v0;
	[tilespmem:s8+$0xFFFFFFC0] =	vst v2  }
0x10d: {  	[tilespmem:s8+$0x10] =	vst v0;
	v63 =	vnsel vm8, $0x0, v1  }
0x10e: {  	s24 =	sadd.s32 $0x1000, s24;
	[tilespmem:s8+$0x20] =	vst v63  }
0x10f: {  	_ =	swait.ge [sflag:s3], $0xC380  }
0x110: {  	[sflag:s3] =	ssyncset.done $0x0  }
0x111: {  	s23 =	simm.s32 $0x0;
	s24 =	simm.s32 $0x1A740;
	[sflag:s3] =	ssyncadd.s32 $0xFFFF3C80  }
0x112: {  	[tilespmem:s23], [sflag:$0x1] =	stream.strided.gather [hbm4b:s13+s31], $0xC380, s4, s31, $0x38;
	[tilespmem:$0x1E700] =	vst v63  }
.LBB2_24:
0x113: {  	s8 =	sshll.u32 s23, $0xE  }
0x114: {  	s8 =	sand.u32 $0x3FFFC000, s8  }
0x115: {  	s8 =	sadd.s32 s8, s5  }
0x116: {  	s8 =	sadd.s32 $0x80, s8  }
0x117: {  	[tilespmem:s2], [sflag:$0x4] =	stream.strided.gather [spmem:s8], $0x1000, s1, s31, $0x38;
	[tilespmem:$0x1E700] =	vst v63  }
0x118: {  	_ =	swait.ge [sflag:s30], $0x1000  }
0x119: {  	[sflag:s30] =	ssyncset.done $0x0  }
0x11a: {  	s26 =	simm.s32 $0x19740;
	[sflag:s30] =	ssyncadd.s32 $0xFFFFF000  }
0x11b: {  	v0 =	vld [tilespmem:s26+$0x30]  }
0x11c: {  	v1 =	vld [tilespmem:s26+$0xFFFFFFD0]  }
0x11d: {  	v2 =	vld [tilespmem:s26+$0xFFFFFFE0]  }
0x11e: {  	v3 =	vld [tilespmem:s26+$0xFFFFFFF0]  }
0x11f: {  	v4 =	vld [tilespmem:s26+$0x0]  }
0x120: {  	v6 =	vld [tilespmem:s26+$0xFFFFFFC0];
	vm3 =	vgt.s32 v0, $0xC37F  }
0x121: {  	v0 =	vadd.s32 $0xFFFF3C80, v0;
	vm0 =	vgt.s32 v1, $0xC37F  }
0x122: {  	v5 =	vld [tilespmem:s26+$0x10];
	v1 =	vadd.s32 $0xFFFF3C80, v1;
	vm2 =	vgt.s32 v2, $0xC37F  }
0x123: {  	v7 =	vld [tilespmem:s26+$0x20];
	v2 =	vadd.s32 $0xFFFF3C80, v2;
	vm1 =	vgt.s32 v3, $0xC37F  }
0x124: {  	v12 =	vld [tilespmem:s24+$0x30];
	v8 =	vadd.s32 $0xFFFF3C80, v3;
	vm4 =	vgt.s32 v4, $0xC37F  }
0x125: {  	v10 =	vld [tilespmem:s24+$0xFFFFFFC0];
	v9 =	vadd.s32 $0xFFFF3C80, v4;
	vm6 =	vgt.s32 v6, $0xC37F  }
0x126: {  	v6 =	vadd.s32 $0xFFFF3C80, v6;
	v11 =	vld.idx.msk [tilespmem:v0+s0+$0x0], vm3  }
0x127: {  	vm7 =	vgt.s32 v5, $0xC37F;
	v0 =	vadd.s32 $0xFFFF3C80, v5;
	v5 =	vld.idx.msk [tilespmem:v1+s0+$0x0], vm0  }
0x128: {  	v3 =	vld.idx.msk [tilespmem:v2+s0+$0x0], vm2  }
0x129: {  	vm8 =	vgt.s32 v7, $0xC37F;
	v4 =	vld.idx.msk [tilespmem:v8+s0+$0x0], vm1  }
0x12a: {  	v1 =	vadd.s32 $0xFFFF3C80, v7;
	v2 =	vld.idx.msk [tilespmem:v9+s0+$0x0], vm4  }
0x12b: {  	v6 =	vld.idx.msk [tilespmem:v6+s0+$0x0], vm6  }
0x12c: {  	v9 =	vld [tilespmem:s24+$0xFFFFFFD0]  }
0x12d: {  	v7 =	vld [tilespmem:s24+$0xFFFFFFE0]  }
0x12e: {  	v0 =	vld.idx.msk [tilespmem:v0+s0+$0x0], vm7  }
0x12f: {  	s22 =	smov.u32 s24;
	v1 =	vld.idx.msk [tilespmem:v1+s0+$0x0], vm8;
	v8 =	vsel vm3, v11, v12  }
0x130: {  	s25 =	smov.u32 s24;
	s8 =	simm.s32 $0x197C0;
	s26 =	simm.s32 $0x0;
	vm5 =	vmmov vm4;
	vm4 =	vmmov vm7;
	vm3 =	vmmov vm8;
	[tilespmem:s24+$0x30] =	vst v8;
	v8 =	vld [tilespmem:s24+$0xFFFFFFF0]  }
.LBB2_25:
0x131: {  	v11 =	vld [tilespmem:s8+$0x30];
	s26 =	sadd.s32 $0x8, s26  }
0x132: {  	v12 =	vld [tilespmem:s8+$0xFFFFFFD0];
	p5 =	slt.u32 s26, $0xF8;
	v6 =	vsel vm6, v6, v10  }
0x133: {  	v10 =	vld [tilespmem:s8+$0xFFFFFFE0];
	[tilespmem:s22+$0xFFFFFFC0] =	vst v6;
	v5 =	vsel vm0, v5, v9  }
0x134: {  	v6 =	vld [tilespmem:s8+$0xFFFFFFF0];
	[tilespmem:s22+$0xFFFFFFD0] =	vst v5;
	v3 =	vsel vm2, v3, v7  }
0x135: {  	v5 =	vld [tilespmem:s8+$0x0];
	[tilespmem:s22+$0xFFFFFFE0] =	vst v3;
	v3 =	vsel vm1, v4, v8  }
0x136: {  	v4 =	vld [tilespmem:s8+$0x10];
	vm7 =	vgt.s32 v11, $0xC37F;
	[tilespmem:s22+$0xFFFFFFF0] =	vst v3  }
0x137: {  	v8 =	vadd.s32 $0xFFFF3C80, v11;
	vm0 =	vgt.s32 v12, $0xC37F;
	v3 =	vadd.s32 $0xFFFF3C80, v12;
	v7 =	vld [tilespmem:s8+$0x20]  }
0x138: {  	v9 =	vld [tilespmem:s8+$0xFFFFFFC0];
	vm2 =	vgt.s32 v10, $0xC37F;
	v10 =	vadd.s32 $0xFFFF3C80, v10  }
0x139: {  	vm1 =	vgt.s32 v6, $0xC37F;
	v6 =	vadd.s32 $0xFFFF3C80, v6;
	v11 =	vld [tilespmem:s22+$0x0]  }
0x13a: {  	vm9 =	vgt.s32 v5, $0xC37F;
	v12 =	vadd.s32 $0xFFFF3C80, v5;
	v13 =	vld [tilespmem:s22+$0x10]  }
0x13b: {  	vm10 =	vgt.s32 v4, $0xC37F;
	v14 =	vadd.s32 $0xFFFF3C80, v4;
	v15 =	vld [tilespmem:s22+$0x20]  }
0x13c: {  	s22 =	sadd.s32 $0x80, s22;
	vm8 =	vgt.s32 v7, $0xC37F;
	v7 =	vadd.s32 $0xFFFF3C80, v7;
	v8 =	vld.idx.msk [tilespmem:v8+s0+$0x0], vm7  }
0x13d: {  	vm6 =	vgt.s32 v9, $0xC37F;
	v9 =	vadd.s32 $0xFFFF3C80, v9;
	v16 =	vld [tilespmem:s22+$0x30]  }
0x13e: {  	v5 =	vld.idx.msk [tilespmem:v3+s0+$0x0], vm0;
	v2 =	vsel vm5, v2, v11;
	vm5 =	vmmov vm9  }
0x13f: {  	v3 =	vld.idx.msk [tilespmem:v10+s0+$0x0], vm2;
	[tilespmem:s25+$0x0] =	vst v2;
	v0 =	vsel vm4, v0, v13;
	vm4 =	vmmov vm10  }
0x140: {  	v4 =	vld.idx.msk [tilespmem:v6+s0+$0x0], vm1;
	[tilespmem:s25+$0x10] =	vst v0;
	v0 =	vsel vm3, v1, v15;
	vm3 =	vmmov vm8  }
0x141: {  	v2 =	vld.idx.msk [tilespmem:v12+s0+$0x0], vm9;
	[tilespmem:s25+$0x20] =	vst v0;
	s25 =	smov.u32 s22  }
0x142: {  	v0 =	vld.idx.msk [tilespmem:v14+s0+$0x0], vm10;
	v1 =	vsel vm7, v8, v16  }
0x143: {  	v6 =	vld.idx.msk [tilespmem:v9+s0+$0x0], vm6;
	[tilespmem:s22+$0x30] =	vst v1  }
.Ltmp14:
0x144: {  	v1 =	vld.idx.msk [tilespmem:v7+s0+$0x0], vm8;
	(pc) =	sbr.rel @p5 .LBB2_25-.Ltmp14, $4  }
0x145: {  	v10 =	vld [tilespmem:s22+$0xFFFFFFC0]  }
0x146: {  	v9 =	vld [tilespmem:s22+$0xFFFFFFD0]  }
0x147: {  	v7 =	vld [tilespmem:s22+$0xFFFFFFE0]  }
0x148: {  	s8 =	sadd.s32 $0x80, s8;
	v8 =	vld [tilespmem:s22+$0xFFFFFFF0]  }
0x149: {  	v11 =	vld [tilespmem:s22+$0x0]  }
0x14a: {  	v60 =	vld [tilespmem:s22+$0x10];
	v6 =	vsel vm6, v6, v10  }
0x14b: {  	v61 =	vld [tilespmem:s22+$0x20];
	s23 =	sadd.s32 $0x1, s23;
	[tilespmem:s22+$0xFFFFFFC0] =	vst v6;
	v5 =	vsel vm0, v5, v9  }
0x14c: {  	p5 =	sne.s32 s23, $0x4;
	[tilespmem:s22+$0xFFFFFFD0] =	vst v5;
	v3 =	vsel vm2, v3, v7  }
.Ltmp15:
0x14d: {  	[tilespmem:s22+$0xFFFFFFE0] =	vst v3;
	v62 =	vsel vm1, v4, v8;
	(pc) =	sbr.rel @p5 .LBB2_24-.Ltmp15, $4  }
0x14e: {  	[tilespmem:s22+$0xFFFFFFF0] =	vst v62;
	v2 =	vsel vm5, v2, v11  }
0x14f: {  	v0 =	vsel vm4, v0, v60;
	[tilespmem:s25+$0x0] =	vst v2  }
0x150: {  	v63 =	vsel vm3, v1, v61;
	[tilespmem:s25+$0x10] =	vst v0  }
0x151: {  	s24 =	sadd.s32 $0x1000, s24;
	[tilespmem:s25+$0x20] =	vst v63  }
0x152: {  	[hbm4b:s14+s31] =	stream.strided.scatter [tilespmem:s28], [sflag:$0x3], $0x4000, s4, s31, $0x38;
	[tilespmem:$0x1E700] =	vst v63  }
0x153: {  	_ = 	snop  }
0x154: {  	[tilespmem:s0], [sflag:$0x2] =	stream.strided.gather [hbm4b:s15+s31], $0xC380, s4, s31, $0x38;
	[tilespmem:$0x1E700] =	vst v63  }
0x155: {  	_ =	swait.ge [sflag:s21], $0xC380  }
0x156: {  	[sflag:s21] =	ssyncset.done $0x0  }
0x157: {  	[sflag:s21] =	ssyncadd.s32 $0xFFFF3C80  }
0x158: {  	_ =	swait.ge [sflag:s29], $0x4000  }
0x159: {  	[sflag:s29] =	ssyncset.done $0x0  }
0x15a: {  	s23 =	simm.s32 $0x0;
	s24 =	simm.s32 $0x1A740;
	[sflag:s29] =	ssyncadd.s32 $0xFFFFC000  }
.LBB2_28:
0x15b: {  	s8 =	sshll.u32 s23, $0xE  }
0x15c: {  	s8 =	sand.u32 $0x3FFFC000, s8  }
0x15d: {  	s8 =	sadd.s32 s8, s5  }
0x15e: {  	s8 =	sadd.s32 $0x100, s8  }
0x15f: {  	[tilespmem:s2], [sflag:$0x4] =	stream.strided.gather [spmem:s8], $0x1000, s1, s31, $0x38;
	[tilespmem:$0x1E700] =	vst v63  }
0x160: {  	_ =	swait.ge [sflag:s30], $0x1000  }
0x161: {  	[sflag:s30] =	ssyncset.done $0x0  }
0x162: {  	s25 =	simm.s32 $0x19740;
	[sflag:s30] =	ssyncadd.s32 $0xFFFFF000  }
0x163: {  	v0 =	vld [tilespmem:s25+$0x30]  }
0x164: {  	v1 =	vld [tilespmem:s25+$0xFFFFFFD0]  }
0x165: {  	v2 =	vld [tilespmem:s25+$0xFFFFFFE0]  }
0x166: {  	v3 =	vld [tilespmem:s25+$0xFFFFFFF0]  }
0x167: {  	v4 =	vld [tilespmem:s25+$0x0]  }
0x168: {  	v5 =	vld [tilespmem:s25+$0x10]  }
0x169: {  	v6 =	vld [tilespmem:s25+$0x20]  }
0x16a: {  	s26 =	simm.s32 $0x197C0;
	v7 =	vld [tilespmem:s25+$0xFFFFFFC0];
	vm1 =	vlt.s32 v0, $0xC380  }
0x16b: {  	v11 =	vld [tilespmem:s26+$0x30];
	vm10 =	vlt.s32 v1, $0xC380  }
0x16c: {  	v12 =	vld [tilespmem:s26+$0xFFFFFFD0];
	vm8 =	vlt.s32 v2, $0xC380  }
0x16d: {  	v13 =	vld [tilespmem:s26+$0xFFFFFFE0];
	vm7 =	vlt.s32 v3, $0xC380  }
0x16e: {  	v14 =	vld [tilespmem:s26+$0xFFFFFFF0];
	vm5 =	vlt.s32 v4, $0xC380  }
0x16f: {  	v15 =	vld [tilespmem:s26+$0x0]  }
0x170: {  	v8 =	vld.idx.msk [tilespmem:v0+s7+$0x0], vm1  }
0x171: {  	vm0 =	vlt.s32 v7, $0xC380;
	v9 =	vld.idx.msk [tilespmem:v1+s7+$0x0], vm10  }
0x172: {  	vm2 =	vlt.s32 v5, $0xC380;
	vm11 =	vmmov vm0;
	v10 =	vld.idx.msk [tilespmem:v2+s7+$0x0], vm8  }
0x173: {  	vm9 =	vmmov vm2;
	v3 =	vld.idx.msk [tilespmem:v3+s7+$0x0], vm7  }
0x174: {  	vm6 =	vlt.s32 v11, $0xC380;
	vm0 =	vlt.s32 v6, $0xC380;
	v4 =	vld.idx.msk [tilespmem:v4+s7+$0x0], vm5  }
0x175: {  	vm0 =	vmmov vm0;
	v0 =	vld [tilespmem:s26+$0x10]  }
0x176: {  	vm4 =	vlt.s32 v12, $0xC380;
	v1 =	vld [tilespmem:s26+$0x20]  }
0x177: {  	vm3 =	vlt.s32 v13, $0xC380;
	v2 =	vld [tilespmem:s26+$0xFFFFFFC0]  }
0x178: {  	vm2 =	vlt.s32 v14, $0xC380;
	v16 =	vld.idx.msk [tilespmem:v7+s7+$0x0], vm11  }
0x179: {  	v17 =	vld.idx.msk [tilespmem:v5+s7+$0x0], vm9;
	v7 =	vnsel vm1, $0x0, v8;
	vm1 =	vlt.s32 v15, $0xC380  }
0x17a: {  	v5 =	vnsel vm10, $0x0, v9;
	v8 =	vld.idx.msk [tilespmem:v11+s7+$0x0], vm6;
	[tilespmem:s24+$0x30] =	vst v7  }
0x17b: {  	v3 =	vnsel vm7, $0x0, v3;
	v7 =	vld.idx.msk [tilespmem:v6+s7+$0x0], vm0;
	[tilespmem:s24+$0xFFFFFFD0] =	vst v5  }
0x17c: {  	v5 =	vnsel vm8, $0x0, v10;
	v6 =	vld.idx.msk [tilespmem:v12+s7+$0x0], vm4;
	[tilespmem:s24+$0xFFFFFFF0] =	vst v3  }
0x17d: {  	vm7 =	vlt.s32 v0, $0xC380;
	v3 =	vnsel vm5, $0x0, v4;
	v4 =	vld.idx.msk [tilespmem:v13+s7+$0x0], vm3;
	[tilespmem:s24+$0xFFFFFFE0] =	vst v5  }
0x17e: {  	vm8 =	vlt.s32 v1, $0xC380;
	vm5 =	vlt.s32 v2, $0xC380;
	v9 =	vnsel vm11, $0x0, v16;
	[tilespmem:s24+$0x0] =	vst v3;
	v3 =	vld.idx.msk [tilespmem:v14+s7+$0x0], vm2  }
0x17f: {  	s22 =	smov.u32 s24;
	s8 =	simm.s32 $0x8;
	s25 =	simm.s32 $0x19840;
	vm7 =	vmmov vm7;
	vm5 =	vmmov vm5;
	[tilespmem:s24+$0xFFFFFFC0] =	vst v9;
	v9 =	vnsel vm9, $0x0, v17;
	v5 =	vld.idx.msk [tilespmem:v15+s7+$0x0], vm1  }
.LBB2_29:
0x180: {  	v10 =	vld [tilespmem:s25+$0x30];
	s8 =	sadd.s32 $0x8, s8;
	[tilespmem:s22+$0x10] =	vst v9;
	v7 =	vnsel vm0, $0x0, v7;
	vm0 =	vmmov vm8  }
0x181: {  	v8 =	vnsel vm6, $0x0, v8;
	v9 =	vld [tilespmem:s25+$0xFFFFFFD0];
	p5 =	slt.u32 s8, $0xF8;
	[tilespmem:s22+$0x20] =	vst v7;
	s22 =	sadd.s32 $0x80, s22  }
0x182: {  	v6 =	vnsel vm4, $0x0, v6;
	v11 =	vld [tilespmem:s25+$0xFFFFFFE0];
	[tilespmem:s22+$0x30] =	vst v8  }
0x183: {  	v4 =	vnsel vm3, $0x0, v4;
	v12 =	vld [tilespmem:s25+$0xFFFFFFF0];
	[tilespmem:s22+$0xFFFFFFD0] =	vst v6  }
0x184: {  	v3 =	vnsel vm2, $0x0, v3;
	v13 =	vld [tilespmem:s25+$0x0];
	[tilespmem:s22+$0xFFFFFFE0] =	vst v4  }
0x185: {  	v4 =	vld [tilespmem:s25+$0x10];
	vm6 =	vlt.s32 v10, $0xC380;
	[tilespmem:s22+$0xFFFFFFF0] =	vst v3;
	v3 =	vnsel vm1, $0x0, v5  }
0x186: {  	vm4 =	vlt.s32 v9, $0xC380;
	v5 =	vld [tilespmem:s25+$0x20];
	[tilespmem:s22+$0x0] =	vst v3  }
0x187: {  	v3 =	vld [tilespmem:s25+$0xFFFFFFC0];
	vm3 =	vlt.s32 v11, $0xC380  }
0x188: {  	vm2 =	vlt.s32 v12, $0xC380;
	v14 =	vld.idx.msk [tilespmem:v2+s7+$0x0], vm5  }
0x189: {  	vm1 =	vlt.s32 v13, $0xC380;
	v15 =	vld.idx.msk [tilespmem:v0+s7+$0x0], vm7  }
0x18a: {  	vm9 =	vlt.s32 v4, $0xC380;
	v7 =	vld.idx.msk [tilespmem:v1+s7+$0x0], vm8;
	v0 =	vmov v4  }
.Ltmp16:
0x18b: {  	vm8 =	vlt.s32 v5, $0xC380;
	v8 =	vld.idx.msk [tilespmem:v10+s7+$0x0], vm6;
	v1 =	vmov v5;
	(pc) =	sbr.rel @p5 .LBB2_29-.Ltmp16, $4  }
0x18c: {  	vm10 =	vlt.s32 v3, $0xC380;
	v6 =	vld.idx.msk [tilespmem:v9+s7+$0x0], vm4;
	v2 =	vmov v3  }
0x18d: {  	v4 =	vld.idx.msk [tilespmem:v11+s7+$0x0], vm3  }
0x18e: {  	v9 =	vnsel vm5, $0x0, v14;
	vm5 =	vmmov vm10;
	v3 =	vld.idx.msk [tilespmem:v12+s7+$0x0], vm2  }
0x18f: {  	s25 =	sadd.s32 $0x80, s25;
	v5 =	vld.idx.msk [tilespmem:v13+s7+$0x0], vm1;
	[tilespmem:s22+$0xFFFFFFC0] =	vst v9;
	v9 =	vnsel vm7, $0x0, v15;
	vm7 =	vmmov vm9  }
0x190: {  	_ = 	snop  }
0x191: {  	vm8 =	vmmov vm8;
	_ =	sdelay $0x2  }
0x192: {  	[tilespmem:s22+$0x10] =	vst v9;
	v7 =	vnsel vm0, $0x0, v7  }
0x193: {  	v8 =	vnsel vm6, $0x0, v8;
	s8 =	sadd.s32 $0x80, s22;
	v2 =	vld.idx.msk [tilespmem:v2+s7+$0x0], vm5;
	[tilespmem:s22+$0x20] =	vst v7  }
0x194: {  	v0 =	vld.idx.msk [tilespmem:v0+s7+$0x0], vm7;
	v6 =	vnsel vm4, $0x0, v6;
	[tilespmem:s8+$0x30] =	vst v8  }
0x195: {  	s23 =	sadd.s32 $0x1, s23;
	[tilespmem:s8+$0xFFFFFFD0] =	vst v6;
	v4 =	vnsel vm3, $0x0, v4;
	v1 =	vld.idx.msk [tilespmem:v1+s7+$0x0], vm8  }
0x196: {  	p5 =	sne.s32 s23, $0x4;
	[tilespmem:s8+$0xFFFFFFE0] =	vst v4;
	v3 =	vnsel vm2, $0x0, v3  }
.Ltmp17:
0x197: {  	[tilespmem:s8+$0xFFFFFFF0] =	vst v3;
	v62 =	vnsel vm1, $0x0, v5;
	(pc) =	sbr.rel @p5 .LBB2_28-.Ltmp17, $4  }
0x198: {  	[tilespmem:s8+$0x0] =	vst v62;
	v2 =	vnsel vm5, $0x0, v2  }
0x199: {  	v0 =	vnsel vm7, $0x0, v0;
	[tilespmem:s8+$0xFFFFFFC0] =	vst v2  }
0x19a: {  	[tilespmem:s8+$0x10] =	vst v0;
	v63 =	vnsel vm8, $0x0, v1  }
0x19b: {  	s24 =	sadd.s32 $0x1000, s24;
	[tilespmem:s8+$0x20] =	vst v63  }
0x19c: {  	_ =	swait.ge [sflag:s3], $0xC380  }
0x19d: {  	[sflag:s3] =	ssyncset.done $0x0  }
0x19e: {  	s23 =	simm.s32 $0x0;
	s24 =	simm.s32 $0x1A740;
	[sflag:s3] =	ssyncadd.s32 $0xFFFF3C80  }
0x19f: {  	[tilespmem:s23], [sflag:$0x1] =	stream.strided.gather [hbm4b:s16+s31], $0xC380, s4, s31, $0x38;
	[tilespmem:$0x1E700] =	vst v63  }
.LBB2_32:
0x1a0: {  	s8 =	sshll.u32 s23, $0xE  }
0x1a1: {  	s8 =	sand.u32 $0x3FFFC000, s8  }
0x1a2: {  	s8 =	sadd.s32 s8, s5  }
0x1a3: {  	s8 =	sadd.s32 $0x100, s8  }
0x1a4: {  	[tilespmem:s2], [sflag:$0x4] =	stream.strided.gather [spmem:s8], $0x1000, s1, s31, $0x38;
	[tilespmem:$0x1E700] =	vst v63  }
0x1a5: {  	_ =	swait.ge [sflag:s30], $0x1000  }
0x1a6: {  	[sflag:s30] =	ssyncset.done $0x0  }
0x1a7: {  	s26 =	simm.s32 $0x19740;
	[sflag:s30] =	ssyncadd.s32 $0xFFFFF000  }
0x1a8: {  	v0 =	vld [tilespmem:s26+$0x30]  }
0x1a9: {  	v1 =	vld [tilespmem:s26+$0xFFFFFFD0]  }
0x1aa: {  	v2 =	vld [tilespmem:s26+$0xFFFFFFE0]  }
0x1ab: {  	v3 =	vld [tilespmem:s26+$0xFFFFFFF0]  }
0x1ac: {  	v4 =	vld [tilespmem:s26+$0x0]  }
0x1ad: {  	v6 =	vld [tilespmem:s26+$0xFFFFFFC0];
	vm3 =	vgt.s32 v0, $0xC37F  }
0x1ae: {  	v0 =	vadd.s32 $0xFFFF3C80, v0;
	vm0 =	vgt.s32 v1, $0xC37F  }
0x1af: {  	v5 =	vld [tilespmem:s26+$0x10];
	v1 =	vadd.s32 $0xFFFF3C80, v1;
	vm2 =	vgt.s32 v2, $0xC37F  }
0x1b0: {  	v7 =	vld [tilespmem:s26+$0x20];
	v2 =	vadd.s32 $0xFFFF3C80, v2;
	vm1 =	vgt.s32 v3, $0xC37F  }
0x1b1: {  	v12 =	vld [tilespmem:s24+$0x30];
	v8 =	vadd.s32 $0xFFFF3C80, v3;
	vm4 =	vgt.s32 v4, $0xC37F  }
0x1b2: {  	v10 =	vld [tilespmem:s24+$0xFFFFFFC0];
	v9 =	vadd.s32 $0xFFFF3C80, v4;
	vm6 =	vgt.s32 v6, $0xC37F  }
0x1b3: {  	v6 =	vadd.s32 $0xFFFF3C80, v6;
	v11 =	vld.idx.msk [tilespmem:v0+s0+$0x0], vm3  }
0x1b4: {  	vm7 =	vgt.s32 v5, $0xC37F;
	v0 =	vadd.s32 $0xFFFF3C80, v5;
	v5 =	vld.idx.msk [tilespmem:v1+s0+$0x0], vm0  }
0x1b5: {  	v3 =	vld.idx.msk [tilespmem:v2+s0+$0x0], vm2  }
0x1b6: {  	vm8 =	vgt.s32 v7, $0xC37F;
	v4 =	vld.idx.msk [tilespmem:v8+s0+$0x0], vm1  }
0x1b7: {  	v1 =	vadd.s32 $0xFFFF3C80, v7;
	v2 =	vld.idx.msk [tilespmem:v9+s0+$0x0], vm4  }
0x1b8: {  	v6 =	vld.idx.msk [tilespmem:v6+s0+$0x0], vm6  }
0x1b9: {  	v9 =	vld [tilespmem:s24+$0xFFFFFFD0]  }
0x1ba: {  	v7 =	vld [tilespmem:s24+$0xFFFFFFE0]  }
0x1bb: {  	v0 =	vld.idx.msk [tilespmem:v0+s0+$0x0], vm7  }
0x1bc: {  	s22 =	smov.u32 s24;
	v1 =	vld.idx.msk [tilespmem:v1+s0+$0x0], vm8;
	v8 =	vsel vm3, v11, v12  }
0x1bd: {  	s25 =	smov.u32 s24;
	s8 =	simm.s32 $0x197C0;
	s26 =	simm.s32 $0x0;
	vm5 =	vmmov vm4;
	vm4 =	vmmov vm7;
	vm3 =	vmmov vm8;
	[tilespmem:s24+$0x30] =	vst v8;
	v8 =	vld [tilespmem:s24+$0xFFFFFFF0]  }
.LBB2_33:
0x1be: {  	v11 =	vld [tilespmem:s8+$0x30];
	s26 =	sadd.s32 $0x8, s26  }
0x1bf: {  	v12 =	vld [tilespmem:s8+$0xFFFFFFD0];
	p5 =	slt.u32 s26, $0xF8;
	v6 =	vsel vm6, v6, v10  }
0x1c0: {  	v10 =	vld [tilespmem:s8+$0xFFFFFFE0];
	[tilespmem:s22+$0xFFFFFFC0] =	vst v6;
	v5 =	vsel vm0, v5, v9  }
0x1c1: {  	v6 =	vld [tilespmem:s8+$0xFFFFFFF0];
	[tilespmem:s22+$0xFFFFFFD0] =	vst v5;
	v3 =	vsel vm2, v3, v7  }
0x1c2: {  	v5 =	vld [tilespmem:s8+$0x0];
	[tilespmem:s22+$0xFFFFFFE0] =	vst v3;
	v3 =	vsel vm1, v4, v8  }
0x1c3: {  	v4 =	vld [tilespmem:s8+$0x10];
	vm7 =	vgt.s32 v11, $0xC37F;
	[tilespmem:s22+$0xFFFFFFF0] =	vst v3  }
0x1c4: {  	v8 =	vadd.s32 $0xFFFF3C80, v11;
	vm0 =	vgt.s32 v12, $0xC37F;
	v3 =	vadd.s32 $0xFFFF3C80, v12;
	v7 =	vld [tilespmem:s8+$0x20]  }
0x1c5: {  	v9 =	vld [tilespmem:s8+$0xFFFFFFC0];
	vm2 =	vgt.s32 v10, $0xC37F;
	v10 =	vadd.s32 $0xFFFF3C80, v10  }
0x1c6: {  	vm1 =	vgt.s32 v6, $0xC37F;
	v6 =	vadd.s32 $0xFFFF3C80, v6;
	v11 =	vld [tilespmem:s22+$0x0]  }
0x1c7: {  	vm9 =	vgt.s32 v5, $0xC37F;
	v12 =	vadd.s32 $0xFFFF3C80, v5;
	v13 =	vld [tilespmem:s22+$0x10]  }
0x1c8: {  	vm10 =	vgt.s32 v4, $0xC37F;
	v14 =	vadd.s32 $0xFFFF3C80, v4;
	v15 =	vld [tilespmem:s22+$0x20]  }
0x1c9: {  	s22 =	sadd.s32 $0x80, s22;
	vm8 =	vgt.s32 v7, $0xC37F;
	v7 =	vadd.s32 $0xFFFF3C80, v7;
	v8 =	vld.idx.msk [tilespmem:v8+s0+$0x0], vm7  }
0x1ca: {  	vm6 =	vgt.s32 v9, $0xC37F;
	v9 =	vadd.s32 $0xFFFF3C80, v9;
	v16 =	vld [tilespmem:s22+$0x30]  }
0x1cb: {  	v5 =	vld.idx.msk [tilespmem:v3+s0+$0x0], vm0;
	v2 =	vsel vm5, v2, v11;
	vm5 =	vmmov vm9  }
0x1cc: {  	v3 =	vld.idx.msk [tilespmem:v10+s0+$0x0], vm2;
	[tilespmem:s25+$0x0] =	vst v2;
	v0 =	vsel vm4, v0, v13;
	vm4 =	vmmov vm10  }
0x1cd: {  	v4 =	vld.idx.msk [tilespmem:v6+s0+$0x0], vm1;
	[tilespmem:s25+$0x10] =	vst v0;
	v0 =	vsel vm3, v1, v15;
	vm3 =	vmmov vm8  }
0x1ce: {  	v2 =	vld.idx.msk [tilespmem:v12+s0+$0x0], vm9;
	[tilespmem:s25+$0x20] =	vst v0;
	s25 =	smov.u32 s22  }
0x1cf: {  	v0 =	vld.idx.msk [tilespmem:v14+s0+$0x0], vm10;
	v1 =	vsel vm7, v8, v16  }
0x1d0: {  	v6 =	vld.idx.msk [tilespmem:v9+s0+$0x0], vm6;
	[tilespmem:s22+$0x30] =	vst v1  }
.Ltmp18:
0x1d1: {  	v1 =	vld.idx.msk [tilespmem:v7+s0+$0x0], vm8;
	(pc) =	sbr.rel @p5 .LBB2_33-.Ltmp18, $4  }
0x1d2: {  	v10 =	vld [tilespmem:s22+$0xFFFFFFC0]  }
0x1d3: {  	v9 =	vld [tilespmem:s22+$0xFFFFFFD0]  }
0x1d4: {  	v7 =	vld [tilespmem:s22+$0xFFFFFFE0]  }
0x1d5: {  	s8 =	sadd.s32 $0x80, s8;
	v8 =	vld [tilespmem:s22+$0xFFFFFFF0]  }
0x1d6: {  	v11 =	vld [tilespmem:s22+$0x0]  }
0x1d7: {  	v60 =	vld [tilespmem:s22+$0x10];
	v6 =	vsel vm6, v6, v10  }
0x1d8: {  	v61 =	vld [tilespmem:s22+$0x20];
	s23 =	sadd.s32 $0x1, s23;
	[tilespmem:s22+$0xFFFFFFC0] =	vst v6;
	v5 =	vsel vm0, v5, v9  }
0x1d9: {  	p5 =	sne.s32 s23, $0x4;
	[tilespmem:s22+$0xFFFFFFD0] =	vst v5;
	v3 =	vsel vm2, v3, v7  }
.Ltmp19:
0x1da: {  	[tilespmem:s22+$0xFFFFFFE0] =	vst v3;
	v62 =	vsel vm1, v4, v8;
	(pc) =	sbr.rel @p5 .LBB2_32-.Ltmp19, $4  }
0x1db: {  	[tilespmem:s22+$0xFFFFFFF0] =	vst v62;
	v2 =	vsel vm5, v2, v11  }
0x1dc: {  	v0 =	vsel vm4, v0, v60;
	[tilespmem:s25+$0x0] =	vst v2  }
0x1dd: {  	v63 =	vsel vm3, v1, v61;
	[tilespmem:s25+$0x10] =	vst v0  }
0x1de: {  	s24 =	sadd.s32 $0x1000, s24;
	[tilespmem:s25+$0x20] =	vst v63  }
0x1df: {  	[hbm4b:s17+s31] =	stream.strided.scatter [tilespmem:s28], [sflag:$0x3], $0x4000, s4, s31, $0x38;
	[tilespmem:$0x1E700] =	vst v63  }
0x1e0: {  	_ = 	snop  }
0x1e1: {  	[tilespmem:s0], [sflag:$0x2] =	stream.strided.gather [hbm4b:s18+s31], $0xC380, s4, s31, $0x38;
	[tilespmem:$0x1E700] =	vst v63  }
0x1e2: {  	_ =	swait.ge [sflag:s21], $0xC380  }
0x1e3: {  	[sflag:s21] =	ssyncset.done $0x0  }
0x1e4: {  	[sflag:s21] =	ssyncadd.s32 $0xFFFF3C80  }
0x1e5: {  	_ =	swait.ge [sflag:s29], $0x4000  }
0x1e6: {  	[sflag:s29] =	ssyncset.done $0x0  }
0x1e7: {  	s23 =	simm.s32 $0x0;
	s24 =	simm.s32 $0x1A740;
	[sflag:s29] =	ssyncadd.s32 $0xFFFFC000  }
.LBB2_36:
0x1e8: {  	s8 =	sshll.u32 s23, $0xE  }
0x1e9: {  	s8 =	sand.u32 $0x3FFFC000, s8  }
0x1ea: {  	s8 =	sadd.s32 s8, s5  }
0x1eb: {  	s8 =	sadd.s32 $0x180, s8  }
0x1ec: {  	[tilespmem:s2], [sflag:$0x4] =	stream.strided.gather [spmem:s8], $0x1000, s1, s31, $0x38;
	[tilespmem:$0x1E700] =	vst v63  }
0x1ed: {  	_ =	swait.ge [sflag:s30], $0x1000  }
0x1ee: {  	[sflag:s30] =	ssyncset.done $0x0  }
0x1ef: {  	s25 =	simm.s32 $0x19740;
	[sflag:s30] =	ssyncadd.s32 $0xFFFFF000  }
0x1f0: {  	v0 =	vld [tilespmem:s25+$0x30]  }
0x1f1: {  	v1 =	vld [tilespmem:s25+$0xFFFFFFD0]  }
0x1f2: {  	v2 =	vld [tilespmem:s25+$0xFFFFFFE0]  }
0x1f3: {  	v3 =	vld [tilespmem:s25+$0xFFFFFFF0]  }
0x1f4: {  	v4 =	vld [tilespmem:s25+$0x0]  }
0x1f5: {  	v5 =	vld [tilespmem:s25+$0x10]  }
0x1f6: {  	v6 =	vld [tilespmem:s25+$0x20]  }
0x1f7: {  	s26 =	simm.s32 $0x197C0;
	v7 =	vld [tilespmem:s25+$0xFFFFFFC0];
	vm1 =	vlt.s32 v0, $0xC380  }
0x1f8: {  	v11 =	vld [tilespmem:s26+$0x30];
	vm10 =	vlt.s32 v1, $0xC380  }
0x1f9: {  	v12 =	vld [tilespmem:s26+$0xFFFFFFD0];
	vm8 =	vlt.s32 v2, $0xC380  }
0x1fa: {  	v13 =	vld [tilespmem:s26+$0xFFFFFFE0];
	vm7 =	vlt.s32 v3, $0xC380  }
0x1fb: {  	v14 =	vld [tilespmem:s26+$0xFFFFFFF0];
	vm5 =	vlt.s32 v4, $0xC380  }
0x1fc: {  	v15 =	vld [tilespmem:s26+$0x0]  }
0x1fd: {  	v8 =	vld.idx.msk [tilespmem:v0+s7+$0x0], vm1  }
0x1fe: {  	vm0 =	vlt.s32 v7, $0xC380;
	v9 =	vld.idx.msk [tilespmem:v1+s7+$0x0], vm10  }
0x1ff: {  	vm2 =	vlt.s32 v5, $0xC380;
	vm11 =	vmmov vm0;
	v10 =	vld.idx.msk [tilespmem:v2+s7+$0x0], vm8  }
0x200: {  	vm9 =	vmmov vm2;
	v3 =	vld.idx.msk [tilespmem:v3+s7+$0x0], vm7  }
0x201: {  	vm6 =	vlt.s32 v11, $0xC380;
	vm0 =	vlt.s32 v6, $0xC380;
	v4 =	vld.idx.msk [tilespmem:v4+s7+$0x0], vm5  }
0x202: {  	vm0 =	vmmov vm0;
	v0 =	vld [tilespmem:s26+$0x10]  }
0x203: {  	vm4 =	vlt.s32 v12, $0xC380;
	v1 =	vld [tilespmem:s26+$0x20]  }
0x204: {  	vm3 =	vlt.s32 v13, $0xC380;
	v2 =	vld [tilespmem:s26+$0xFFFFFFC0]  }
0x205: {  	vm2 =	vlt.s32 v14, $0xC380;
	v16 =	vld.idx.msk [tilespmem:v7+s7+$0x0], vm11  }
0x206: {  	v17 =	vld.idx.msk [tilespmem:v5+s7+$0x0], vm9;
	v7 =	vnsel vm1, $0x0, v8;
	vm1 =	vlt.s32 v15, $0xC380  }
0x207: {  	v5 =	vnsel vm10, $0x0, v9;
	v8 =	vld.idx.msk [tilespmem:v11+s7+$0x0], vm6;
	[tilespmem:s24+$0x30] =	vst v7  }
0x208: {  	v3 =	vnsel vm7, $0x0, v3;
	v7 =	vld.idx.msk [tilespmem:v6+s7+$0x0], vm0;
	[tilespmem:s24+$0xFFFFFFD0] =	vst v5  }
0x209: {  	v5 =	vnsel vm8, $0x0, v10;
	v6 =	vld.idx.msk [tilespmem:v12+s7+$0x0], vm4;
	[tilespmem:s24+$0xFFFFFFF0] =	vst v3  }
0x20a: {  	vm7 =	vlt.s32 v0, $0xC380;
	v3 =	vnsel vm5, $0x0, v4;
	v4 =	vld.idx.msk [tilespmem:v13+s7+$0x0], vm3;
	[tilespmem:s24+$0xFFFFFFE0] =	vst v5  }
0x20b: {  	vm8 =	vlt.s32 v1, $0xC380;
	vm5 =	vlt.s32 v2, $0xC380;
	v9 =	vnsel vm11, $0x0, v16;
	[tilespmem:s24+$0x0] =	vst v3;
	v3 =	vld.idx.msk [tilespmem:v14+s7+$0x0], vm2  }
0x20c: {  	s22 =	smov.u32 s24;
	s8 =	simm.s32 $0x8;
	s25 =	simm.s32 $0x19840;
	vm7 =	vmmov vm7;
	vm5 =	vmmov vm5;
	[tilespmem:s24+$0xFFFFFFC0] =	vst v9;
	v9 =	vnsel vm9, $0x0, v17;
	v5 =	vld.idx.msk [tilespmem:v15+s7+$0x0], vm1  }
.LBB2_37:
0x20d: {  	v10 =	vld [tilespmem:s25+$0x30];
	s8 =	sadd.s32 $0x8, s8;
	[tilespmem:s22+$0x10] =	vst v9;
	v7 =	vnsel vm0, $0x0, v7;
	vm0 =	vmmov vm8  }
0x20e: {  	v8 =	vnsel vm6, $0x0, v8;
	v9 =	vld [tilespmem:s25+$0xFFFFFFD0];
	p5 =	slt.u32 s8, $0xF8;
	[tilespmem:s22+$0x20] =	vst v7;
	s22 =	sadd.s32 $0x80, s22  }
0x20f: {  	v6 =	vnsel vm4, $0x0, v6;
	v11 =	vld [tilespmem:s25+$0xFFFFFFE0];
	[tilespmem:s22+$0x30] =	vst v8  }
0x210: {  	v4 =	vnsel vm3, $0x0, v4;
	v12 =	vld [tilespmem:s25+$0xFFFFFFF0];
	[tilespmem:s22+$0xFFFFFFD0] =	vst v6  }
0x211: {  	v3 =	vnsel vm2, $0x0, v3;
	v13 =	vld [tilespmem:s25+$0x0];
	[tilespmem:s22+$0xFFFFFFE0] =	vst v4  }
0x212: {  	v4 =	vld [tilespmem:s25+$0x10];
	vm6 =	vlt.s32 v10, $0xC380;
	[tilespmem:s22+$0xFFFFFFF0] =	vst v3;
	v3 =	vnsel vm1, $0x0, v5  }
0x213: {  	vm4 =	vlt.s32 v9, $0xC380;
	v5 =	vld [tilespmem:s25+$0x20];
	[tilespmem:s22+$0x0] =	vst v3  }
0x214: {  	v3 =	vld [tilespmem:s25+$0xFFFFFFC0];
	vm3 =	vlt.s32 v11, $0xC380  }
0x215: {  	vm2 =	vlt.s32 v12, $0xC380;
	v14 =	vld.idx.msk [tilespmem:v2+s7+$0x0], vm5  }
0x216: {  	vm1 =	vlt.s32 v13, $0xC380;
	v15 =	vld.idx.msk [tilespmem:v0+s7+$0x0], vm7  }
0x217: {  	vm9 =	vlt.s32 v4, $0xC380;
	v7 =	vld.idx.msk [tilespmem:v1+s7+$0x0], vm8;
	v0 =	vmov v4  }
.Ltmp20:
0x218: {  	vm8 =	vlt.s32 v5, $0xC380;
	v8 =	vld.idx.msk [tilespmem:v10+s7+$0x0], vm6;
	v1 =	vmov v5;
	(pc) =	sbr.rel @p5 .LBB2_37-.Ltmp20, $4  }
0x219: {  	vm10 =	vlt.s32 v3, $0xC380;
	v6 =	vld.idx.msk [tilespmem:v9+s7+$0x0], vm4;
	v2 =	vmov v3  }
0x21a: {  	v4 =	vld.idx.msk [tilespmem:v11+s7+$0x0], vm3  }
0x21b: {  	v9 =	vnsel vm5, $0x0, v14;
	vm5 =	vmmov vm10;
	v3 =	vld.idx.msk [tilespmem:v12+s7+$0x0], vm2  }
0x21c: {  	s25 =	sadd.s32 $0x80, s25;
	v5 =	vld.idx.msk [tilespmem:v13+s7+$0x0], vm1;
	[tilespmem:s22+$0xFFFFFFC0] =	vst v9;
	v9 =	vnsel vm7, $0x0, v15;
	vm7 =	vmmov vm9  }
0x21d: {  	_ = 	snop  }
0x21e: {  	vm8 =	vmmov vm8;
	_ =	sdelay $0x2  }
0x21f: {  	[tilespmem:s22+$0x10] =	vst v9;
	v7 =	vnsel vm0, $0x0, v7  }
0x220: {  	v8 =	vnsel vm6, $0x0, v8;
	s8 =	sadd.s32 $0x80, s22;
	v2 =	vld.idx.msk [tilespmem:v2+s7+$0x0], vm5;
	[tilespmem:s22+$0x20] =	vst v7  }
0x221: {  	v0 =	vld.idx.msk [tilespmem:v0+s7+$0x0], vm7;
	v6 =	vnsel vm4, $0x0, v6;
	[tilespmem:s8+$0x30] =	vst v8  }
0x222: {  	s23 =	sadd.s32 $0x1, s23;
	[tilespmem:s8+$0xFFFFFFD0] =	vst v6;
	v4 =	vnsel vm3, $0x0, v4;
	v1 =	vld.idx.msk [tilespmem:v1+s7+$0x0], vm8  }
0x223: {  	p5 =	sne.s32 s23, $0x4;
	[tilespmem:s8+$0xFFFFFFE0] =	vst v4;
	v3 =	vnsel vm2, $0x0, v3  }
.Ltmp21:
0x224: {  	[tilespmem:s8+$0xFFFFFFF0] =	vst v3;
	v62 =	vnsel vm1, $0x0, v5;
	(pc) =	sbr.rel @p5 .LBB2_36-.Ltmp21, $4  }
0x225: {  	[tilespmem:s8+$0x0] =	vst v62;
	v2 =	vnsel vm5, $0x0, v2  }
0x226: {  	v0 =	vnsel vm7, $0x0, v0;
	[tilespmem:s8+$0xFFFFFFC0] =	vst v2  }
0x227: {  	[tilespmem:s8+$0x10] =	vst v0;
	v63 =	vnsel vm8, $0x0, v1  }
0x228: {  	s24 =	sadd.s32 $0x1000, s24;
	[tilespmem:s8+$0x20] =	vst v63  }
0x229: {  	_ =	swait.ge [sflag:s3], $0xC380  }
0x22a: {  	[sflag:s3] =	ssyncset.done $0x0  }
0x22b: {  	s23 =	simm.s32 $0x0;
	s24 =	simm.s32 $0x1A740;
	[sflag:s3] =	ssyncadd.s32 $0xFFFF3C80  }
.LBB2_40:
0x22c: {  	s8 =	sshll.u32 s23, $0xE  }
0x22d: {  	s8 =	sand.u32 $0x3FFFC000, s8  }
0x22e: {  	s8 =	sadd.s32 s8, s5  }
0x22f: {  	s8 =	sadd.s32 $0x180, s8  }
0x230: {  	[tilespmem:s2], [sflag:$0x4] =	stream.strided.gather [spmem:s8], $0x1000, s1, s31, $0x38;
	[tilespmem:$0x1E700] =	vst v63  }
0x231: {  	_ =	swait.ge [sflag:s30], $0x1000  }
0x232: {  	[sflag:s30] =	ssyncset.done $0x0  }
0x233: {  	s26 =	simm.s32 $0x19740;
	[sflag:s30] =	ssyncadd.s32 $0xFFFFF000  }
0x234: {  	v0 =	vld [tilespmem:s26+$0x30]  }
0x235: {  	v1 =	vld [tilespmem:s26+$0xFFFFFFD0]  }
0x236: {  	v2 =	vld [tilespmem:s26+$0xFFFFFFE0]  }
0x237: {  	v3 =	vld [tilespmem:s26+$0xFFFFFFF0]  }
0x238: {  	v4 =	vld [tilespmem:s26+$0x0]  }
0x239: {  	v6 =	vld [tilespmem:s26+$0xFFFFFFC0];
	vm3 =	vgt.s32 v0, $0xC37F  }
0x23a: {  	v0 =	vadd.s32 $0xFFFF3C80, v0;
	vm0 =	vgt.s32 v1, $0xC37F  }
0x23b: {  	v5 =	vld [tilespmem:s26+$0x10];
	v1 =	vadd.s32 $0xFFFF3C80, v1;
	vm2 =	vgt.s32 v2, $0xC37F  }
0x23c: {  	v7 =	vld [tilespmem:s26+$0x20];
	v2 =	vadd.s32 $0xFFFF3C80, v2;
	vm1 =	vgt.s32 v3, $0xC37F  }
0x23d: {  	v12 =	vld [tilespmem:s24+$0x30];
	v8 =	vadd.s32 $0xFFFF3C80, v3;
	vm4 =	vgt.s32 v4, $0xC37F  }
0x23e: {  	v10 =	vld [tilespmem:s24+$0xFFFFFFC0];
	v9 =	vadd.s32 $0xFFFF3C80, v4;
	vm6 =	vgt.s32 v6, $0xC37F  }
0x23f: {  	v6 =	vadd.s32 $0xFFFF3C80, v6;
	v11 =	vld.idx.msk [tilespmem:v0+s0+$0x0], vm3  }
0x240: {  	vm7 =	vgt.s32 v5, $0xC37F;
	v0 =	vadd.s32 $0xFFFF3C80, v5;
	v5 =	vld.idx.msk [tilespmem:v1+s0+$0x0], vm0  }
0x241: {  	v3 =	vld.idx.msk [tilespmem:v2+s0+$0x0], vm2  }
0x242: {  	vm8 =	vgt.s32 v7, $0xC37F;
	v4 =	vld.idx.msk [tilespmem:v8+s0+$0x0], vm1  }
0x243: {  	v1 =	vadd.s32 $0xFFFF3C80, v7;
	v2 =	vld.idx.msk [tilespmem:v9+s0+$0x0], vm4  }
0x244: {  	v6 =	vld.idx.msk [tilespmem:v6+s0+$0x0], vm6  }
0x245: {  	v9 =	vld [tilespmem:s24+$0xFFFFFFD0]  }
0x246: {  	v7 =	vld [tilespmem:s24+$0xFFFFFFE0]  }
0x247: {  	v0 =	vld.idx.msk [tilespmem:v0+s0+$0x0], vm7  }
0x248: {  	s22 =	smov.u32 s24;
	v1 =	vld.idx.msk [tilespmem:v1+s0+$0x0], vm8;
	v8 =	vsel vm3, v11, v12  }
0x249: {  	s25 =	smov.u32 s24;
	s8 =	simm.s32 $0x197C0;
	s26 =	simm.s32 $0x0;
	vm5 =	vmmov vm4;
	vm4 =	vmmov vm7;
	vm3 =	vmmov vm8;
	[tilespmem:s24+$0x30] =	vst v8;
	v8 =	vld [tilespmem:s24+$0xFFFFFFF0]  }
.LBB2_41:
0x24a: {  	v11 =	vld [tilespmem:s8+$0x30];
	s26 =	sadd.s32 $0x8, s26  }
0x24b: {  	v12 =	vld [tilespmem:s8+$0xFFFFFFD0];
	p5 =	slt.u32 s26, $0xF8;
	v6 =	vsel vm6, v6, v10  }
0x24c: {  	v10 =	vld [tilespmem:s8+$0xFFFFFFE0];
	[tilespmem:s22+$0xFFFFFFC0] =	vst v6;
	v5 =	vsel vm0, v5, v9  }
0x24d: {  	v6 =	vld [tilespmem:s8+$0xFFFFFFF0];
	[tilespmem:s22+$0xFFFFFFD0] =	vst v5;
	v3 =	vsel vm2, v3, v7  }
0x24e: {  	v5 =	vld [tilespmem:s8+$0x0];
	[tilespmem:s22+$0xFFFFFFE0] =	vst v3;
	v3 =	vsel vm1, v4, v8  }
0x24f: {  	v4 =	vld [tilespmem:s8+$0x10];
	vm7 =	vgt.s32 v11, $0xC37F;
	[tilespmem:s22+$0xFFFFFFF0] =	vst v3  }
0x250: {  	v8 =	vadd.s32 $0xFFFF3C80, v11;
	vm0 =	vgt.s32 v12, $0xC37F;
	v3 =	vadd.s32 $0xFFFF3C80, v12;
	v7 =	vld [tilespmem:s8+$0x20]  }
0x251: {  	v9 =	vld [tilespmem:s8+$0xFFFFFFC0];
	vm2 =	vgt.s32 v10, $0xC37F;
	v10 =	vadd.s32 $0xFFFF3C80, v10  }
0x252: {  	vm1 =	vgt.s32 v6, $0xC37F;
	v6 =	vadd.s32 $0xFFFF3C80, v6;
	v11 =	vld [tilespmem:s22+$0x0]  }
0x253: {  	vm9 =	vgt.s32 v5, $0xC37F;
	v12 =	vadd.s32 $0xFFFF3C80, v5;
	v13 =	vld [tilespmem:s22+$0x10]  }
0x254: {  	vm10 =	vgt.s32 v4, $0xC37F;
	v14 =	vadd.s32 $0xFFFF3C80, v4;
	v15 =	vld [tilespmem:s22+$0x20]  }
0x255: {  	s22 =	sadd.s32 $0x80, s22;
	vm8 =	vgt.s32 v7, $0xC37F;
	v7 =	vadd.s32 $0xFFFF3C80, v7;
	v8 =	vld.idx.msk [tilespmem:v8+s0+$0x0], vm7  }
0x256: {  	vm6 =	vgt.s32 v9, $0xC37F;
	v9 =	vadd.s32 $0xFFFF3C80, v9;
	v16 =	vld [tilespmem:s22+$0x30]  }
0x257: {  	v5 =	vld.idx.msk [tilespmem:v3+s0+$0x0], vm0;
	v2 =	vsel vm5, v2, v11;
	vm5 =	vmmov vm9  }
0x258: {  	v3 =	vld.idx.msk [tilespmem:v10+s0+$0x0], vm2;
	[tilespmem:s25+$0x0] =	vst v2;
	v0 =	vsel vm4, v0, v13;
	vm4 =	vmmov vm10  }
0x259: {  	v4 =	vld.idx.msk [tilespmem:v6+s0+$0x0], vm1;
	[tilespmem:s25+$0x10] =	vst v0;
	v0 =	vsel vm3, v1, v15;
	vm3 =	vmmov vm8  }
0x25a: {  	v2 =	vld.idx.msk [tilespmem:v12+s0+$0x0], vm9;
	[tilespmem:s25+$0x20] =	vst v0;
	s25 =	smov.u32 s22  }
0x25b: {  	v0 =	vld.idx.msk [tilespmem:v14+s0+$0x0], vm10;
	v1 =	vsel vm7, v8, v16  }
0x25c: {  	v6 =	vld.idx.msk [tilespmem:v9+s0+$0x0], vm6;
	[tilespmem:s22+$0x30] =	vst v1  }
.Ltmp22:
0x25d: {  	v1 =	vld.idx.msk [tilespmem:v7+s0+$0x0], vm8;
	(pc) =	sbr.rel @p5 .LBB2_41-.Ltmp22, $4  }
0x25e: {  	v10 =	vld [tilespmem:s22+$0xFFFFFFC0]  }
0x25f: {  	v9 =	vld [tilespmem:s22+$0xFFFFFFD0]  }
0x260: {  	v7 =	vld [tilespmem:s22+$0xFFFFFFE0]  }
0x261: {  	s8 =	sadd.s32 $0x80, s8;
	v8 =	vld [tilespmem:s22+$0xFFFFFFF0]  }
0x262: {  	v11 =	vld [tilespmem:s22+$0x0]  }
0x263: {  	v60 =	vld [tilespmem:s22+$0x10];
	v6 =	vsel vm6, v6, v10  }
0x264: {  	v61 =	vld [tilespmem:s22+$0x20];
	s23 =	sadd.s32 $0x1, s23;
	[tilespmem:s22+$0xFFFFFFC0] =	vst v6;
	v5 =	vsel vm0, v5, v9  }
0x265: {  	p5 =	sne.s32 s23, $0x4;
	[tilespmem:s22+$0xFFFFFFD0] =	vst v5;
	v3 =	vsel vm2, v3, v7  }
.Ltmp23:
0x266: {  	[tilespmem:s22+$0xFFFFFFE0] =	vst v3;
	v62 =	vsel vm1, v4, v8;
	(pc) =	sbr.rel @p5 .LBB2_40-.Ltmp23, $4  }
0x267: {  	[tilespmem:s22+$0xFFFFFFF0] =	vst v62;
	v2 =	vsel vm5, v2, v11  }
0x268: {  	v0 =	vsel vm4, v0, v60;
	[tilespmem:s25+$0x0] =	vst v2  }
0x269: {  	v63 =	vsel vm3, v1, v61;
	[tilespmem:s25+$0x10] =	vst v0  }
0x26a: {  	s24 =	sadd.s32 $0x1000, s24;
	[tilespmem:s25+$0x20] =	vst v63  }
0x26b: {  	s6 =	sadd.s32 $0x1, s6  }
0x26c: {  	p5 =	sne.s32 s6, s20  }
.Ltmp24:
0x26d: {  	_ = 	snop;
	(pc) =	sbr.rel @p5 .LBB2_1-.Ltmp24, $4  }
0x26e: {  	[hbm4b:s19+s31] =	stream.strided.scatter [tilespmem:s28], [sflag:$0x3], $0x4000, s4, s31, $0x38;
	[tilespmem:$0x1E700] =	vst v63  }
0x26f: {  	_ =	swait.ge [sflag:s29], $0x4000  }
0x270: {  	[sflag:s29] =	ssyncset.done $0x0  }
0x271: {  	[sflag:s29] =	ssyncadd.s32 $0xFFFFC000  }
0x272: {  	_ =	sfence.sel $0x180000  }
0x273: {  	[bflag:$0x0] =	sbarrier.arrive $0xFFFF  }
0x274: {  	_ =	strace $0x90000047  }
0x275: {  	s0 =	stileid.u32;
	[bflag:$0x2] =	sbarrier.arrive $0xFFFF  }
0x276: {  	p0 =	sne.s32 s0, $0x0;
	s0 =	rddreg [dreg:$0xa]  }
0x277: {  	s0 =	sadd.s32 @!p0 $0x100000, s0  }
0x278: {  	[sflag:s0] =	ssyncadd.tile.s32 @!p0 $0x1;
	_ =	shalt  }
.Lfunc_end2:
_tile_overlayer_lowered:
.L_overlay_start_2:
0x279: {  	(tag) =	ssettag $0x2  }
0x27a: {  	s0 =	rddreg [dreg:$0x0];
	s2 =	stileid.u32  }
0x27b: {  	s1 =	rddreg [dreg:$0x1];
	p0 =	sne.s32 s2, $0x0  }
0x27c: {  	s3 =	rddreg [dreg:$0x2];
	[bflag:$0x3] =	sbarrier.arrive $0xFFFF;
	s2 =	simm.s32 @!p0 $0x1C04  }
0x27d: {  	[timem:s3], [sflag:s2] =	dma.local @!p0 [hbm:s0], s1  }
0x27e: {  	s0 =	simm.s32 @!p0 $0x4  }
0x27f: {  	_ =	swait.ge @!p0 [sflag:s0], s1  }
0x280: {  	s1 =	ssub.s32 @!p0 $0x0, s1;
	[sflag:s0] =	ssyncset.done @!p0 $0x0  }
0x281: {  	[sflag:s0] =	ssyncadd.s32 @!p0 s1  }
0x282: {  	[bflag:$0x3] =	sbarrier.arrive $0xFFFF  }
0x283: {  	_ =	shalt  }

</sc_bundles>
